<compile_context>
chip_gen: v7x
topology: tpu7x:2x2x1
jax: 0.10.2.dev20260603
libtpu: 0.0.44.dev20260713+nightly
codegen_flags: <defaults>
</compile_context>

<pallas_src>
import functools

import jax
import jax.numpy as jnp
from jax import lax
from jax.experimental import pallas as pl
from jax.experimental.pallas import tpu as pltpu
from jax.experimental.pallas import tpu_sc as plsc

_NUM_CLASSES = 100000
_FEAT_DIM = 64
_BATCH = 16384
_LAMBDA_C = 0.01

_L = 16
_NC = 2
_NS = 16
_NW = _NC * _NS
_PASSES = _FEAT_DIM // _NW
_FCHUNK = 4096
_NCHUNK = _BATCH // _FCHUNK


def _make_sc_call():
  mesh = plsc.VectorSubcoreMesh(core_axis_name="c", subcore_axis_name="s")

  @functools.partial(
      pl.kernel,
      mesh=mesh,
      out_type=jax.ShapeDtypeStruct((_NW * _L,), jnp.float32),
      scratch_types=[
          pltpu.VMEM((_NUM_CLASSES,), jnp.float32),
          pltpu.VMEM((_BATCH,), jnp.int32),
          pltpu.VMEM((2, _FCHUNK), jnp.float32),
          pltpu.VMEM((_L,), jnp.float32),
          pltpu.SemaphoreType.DMA,
          pltpu.SemaphoreType.DMA,
          pltpu.SemaphoreType.DMA,
          pltpu.SemaphoreType.DMA,
      ],
      compiler_params=pltpu.CompilerParams(
          use_tc_tiling_on_sc=True, needs_layout_passes=False),
  )
  def center_loss_partial(ft_hbm, labels_hbm, ct_hbm, out_hbm,
                          row_v, lbl_v, feat_v, acc_v,
                          lbl_sem, row_sem, fsem0, fsem1):
    wid = lax.axis_index("s") * _NC + lax.axis_index("c")
    fsems = (fsem0, fsem1)

    lbl_cp0 = pltpu.async_copy(
        labels_hbm.at[pl.ds(0, _FCHUNK)], lbl_v.at[pl.ds(0, _FCHUNK)],
        lbl_sem)
    acc = jnp.zeros((_L,), jnp.float32)
    for p in range(_PASSES):
      d = wid + p * _NW
      row_cp = pltpu.async_copy(ct_hbm.at[d], row_v, row_sem)
      cp0 = pltpu.async_copy(
          ft_hbm.at[d, pl.ds(0, _FCHUNK)], feat_v.at[0], fsems[0])
      if p == 0:
        lbl_rest = pltpu.async_copy(
            labels_hbm.at[pl.ds(_FCHUNK, _BATCH - _FCHUNK)],
            lbl_v.at[pl.ds(_FCHUNK, _BATCH - _FCHUNK)], lbl_sem)
      row_cp.wait()
      if p == 0:
        lbl_cp0.wait()
      cps = [cp0, None]
      for h in range(_NCHUNK):
        if h + 1 < _NCHUNK:
          cps[(h + 1) % 2] = pltpu.async_copy(
              ft_hbm.at[d, pl.ds((h + 1) * _FCHUNK, _FCHUNK)],
              feat_v.at[(h + 1) % 2], fsems[(h + 1) % 2])
        cps[h % 2].wait()
        if p == 0 and h == 1:
          lbl_rest.wait()

        @plsc.parallel_loop(0, _FCHUNK // _L, unroll=8, carry=acc)
        def acc_chunk(k, a):
          lbl = lbl_v[pl.ds(h * _FCHUNK + k * _L, _L)]
          f = feat_v[h % 2, pl.ds(k * _L, _L)]
          c = plsc.load_gather(row_v, [lbl])
          dd = f - c
          return a + dd * dd

        acc = acc_chunk

    acc_v[...] = acc
    pltpu.sync_copy(acc_v, out_hbm.at[pl.ds(wid * _L, _L)])

  return center_loss_partial


_sc_call = _make_sc_call()


@jax.jit
def kernel(features, labels, centers):
  ft = jnp.swapaxes(features, 0, 1)
  ct = jnp.swapaxes(centers, 0, 1)
  partials = _sc_call(ft, labels.astype(jnp.int32), ct)
  return jnp.sum(partials) * (_LAMBDA_C / _BATCH)

# --- scband reference (transcript-rebuilt; emitter-appended) ---
"""Pipeline reference for scband-center-loss-14929306321416 (READ-ONLY COPY).

The authoritative reference and input builder live on the scoring server;
editing this copy changes nothing except your own understanding.
"""

import jax, jax.numpy as jnp
import numpy as np

NUM_CLASSES = 100000
FEAT_DIM = 64
BATCH = 16384
LAMBDA_C = 0.01


def setup_inputs(seed: int = 0) -> dict:
    key = jax.random.key(seed)
    k1, k2, k3 = jax.random.split(key, 3)
    features = jax.random.normal(k1, (BATCH, FEAT_DIM), dtype=jnp.float32)
    labels = jax.random.randint(k2, (BATCH,), 0, NUM_CLASSES, dtype=jnp.int64)
    centers = jax.random.normal(k3, (NUM_CLASSES, FEAT_DIM), dtype=jnp.float32)
    return {"features": features, "labels": labels, "centers": centers}


def reference(features, labels, centers):
    # CenterLoss forward: gather class centers for each sample, squared L2 distance
    batch_centers = jnp.take(centers, labels, axis=0)  # [B, feat_dim] gather
    loss = jnp.mean(jnp.sum((features - batch_centers) ** 2, axis=1))
    return LAMBDA_C * loss

if __name__ == "__main__":
    import jax
    _d = setup_inputs()
    print(jax.jit(kernel)(*tuple(_d.values())))

</pallas_src>

<mosaic_0001>
#map = affine_map<(d0, d1) -> (0, 0)>
#map1 = affine_map<(d0, d1) -> (0)>
module attributes {stable_mosaic.version = 14 : i64} {
  func.func @center_loss_partial(%arg0: i32, %arg1: i32, %arg2: memref<64x16384xf32, #tpu.memory_space<hbm>>, %arg3: memref<16384xi32, #tpu.memory_space<hbm>>, %arg4: memref<64x100000xf32, #tpu.memory_space<hbm>>, %arg5: memref<512xf32, #tpu.memory_space<hbm>>, %arg6: memref<100000xf32, #tpu.memory_space<vmem>>, %arg7: memref<16384xi32, #tpu.memory_space<vmem>>, %arg8: memref<2x4096xf32, #tpu.memory_space<vmem>>, %arg9: memref<16xf32, #tpu.memory_space<vmem>>, %arg10: memref<!tpu.dma_semaphore, #tpu.memory_space<semaphore_mem>>, %arg11: memref<!tpu.dma_semaphore, #tpu.memory_space<semaphore_mem>>, %arg12: memref<!tpu.dma_semaphore, #tpu.memory_space<semaphore_mem>>, %arg13: memref<!tpu.dma_semaphore, #tpu.memory_space<semaphore_mem>>) attributes {dimension_semantics = [#tpu.dimension_semantics<core_parallel>, #tpu.dimension_semantics<subcore_parallel>], iteration_bounds = array<i64: 2, 16>, scalar_prefetch = 0 : i64, scratch_operands = 8 : i64, tpu.core_type = #tpu.core_type<sc_vector_subcore>, window_params = [{transform_indices = #map}, {transform_indices = #map1}, {transform_indices = #map}, {transform_indices = #map1}]} {
    %mul3A = arith.constant 2 : i32
    %mul3A_0 = arith.muli %arg1, %mul3A : i32
    %add3A = arith.addi %mul3A_0, %arg0 : i32
    %dma_start3A = arith.constant 0 : i32
    %dma_start3A_1 = tpu.memref_slice %arg7[%dma_start3A] : memref<16384xi32, #tpu.memory_space<vmem>> -> memref<4096xi32, #tpu.memory_space<vmem>>
    %dma_start3A_2 = arith.constant 0 : i32
    %dma_start3A_3 = tpu.memref_slice %arg3[%dma_start3A_2] : memref<16384xi32, #tpu.memory_space<hbm>> -> memref<4096xi32, #tpu.memory_space<hbm>>
    %dma_start3A_4 = arith.constant 0 : i32
    %dma_start3A_5 = tpu.memref_slice %arg7[%dma_start3A_4] : memref<16384xi32, #tpu.memory_space<vmem>> -> memref<4096xi32, #tpu.memory_space<vmem>>
    %dma_start3A_6 = arith.constant 0 : i32
    %dma_start3A_7 = tpu.memref_slice %arg3[%dma_start3A_6] : memref<16384xi32, #tpu.memory_space<hbm>> -> memref<4096xi32, #tpu.memory_space<hbm>>
    tpu.enqueue_dma source(%dma_start3A_7 : memref<4096xi32, #tpu.memory_space<hbm>>) target(%dma_start3A_5 : memref<4096xi32, #tpu.memory_space<vmem>>) target_semaphore(%arg10 : memref<!tpu.dma_semaphore, #tpu.memory_space<semaphore_mem>>)
    %broadcast_in_dim3A = arith.constant 0.000000e+00 : f32
    %broadcast_in_dim3A_8 = vector.broadcast %broadcast_in_dim3A : f32 to vector<16xf32>
    %add3A_9 = arith.constant 0 : i32
    %add3A_10 = arith.addi %add3A, %add3A_9 : i32
    %dma_start3A_11 = arith.constant 0 : i32
    %dma_start3A_12 = tpu.memref_slice %arg4[%add3A_10, %dma_start3A_11] : memref<64x100000xf32, #tpu.memory_space<hbm>> -> memref<1x100000xf32, #tpu.memory_space<hbm>>
    %dma_start3A_13 = tpu.memref_squeeze %dma_start3A_12 : memref<1x100000xf32, #tpu.memory_space<hbm>> -> memref<100000xf32, #tpu.memory_space<hbm>>
    %dma_start3A_14 = arith.constant 0 : i32
    %dma_start3A_15 = tpu.memref_slice %arg4[%add3A_10, %dma_start3A_14] : memref<64x100000xf32, #tpu.memory_space<hbm>> -> memref<1x100000xf32, #tpu.memory_space<hbm>>
    %dma_start3A_16 = tpu.memref_squeeze %dma_start3A_15 : memref<1x100000xf32, #tpu.memory_space<hbm>> -> memref<100000xf32, #tpu.memory_space<hbm>>
    tpu.enqueue_dma source(%dma_start3A_16 : memref<100000xf32, #tpu.memory_space<hbm>>) target(%arg6 : memref<100000xf32, #tpu.memory_space<vmem>>) target_semaphore(%arg11 : memref<!tpu.dma_semaphore, #tpu.memory_space<semaphore_mem>>)
    %dma_start3A_17 = arith.constant 0 : i32
    %dma_start3A_18 = arith.constant 0 : i32
    %dma_start3A_19 = tpu.memref_slice %arg8[%dma_start3A_17, %dma_start3A_18] : memref<2x4096xf32, #tpu.memory_space<vmem>> -> memref<1x4096xf32, #tpu.memory_space<vmem>>
    %dma_start3A_20 = tpu.memref_squeeze %dma_start3A_19 : memref<1x4096xf32, #tpu.memory_space<vmem>> -> memref<4096xf32, #tpu.memory_space<vmem>>
    %dma_start3A_21 = arith.constant 0 : i32
    %dma_start3A_22 = tpu.memref_slice %arg2[%add3A_10, %dma_start3A_21] : memref<64x16384xf32, #tpu.memory_space<hbm>> -> memref<1x4096xf32, #tpu.memory_space<hbm>>
    %dma_start3A_23 = tpu.memref_squeeze %dma_start3A_22 : memref<1x4096xf32, #tpu.memory_space<hbm>> -> memref<4096xf32, #tpu.memory_space<hbm>>
    %dma_start3A_24 = arith.constant 0 : i32
    %dma_start3A_25 = tpu.memref_slice %arg8[%dma_start3A_17, %dma_start3A_24] : memref<2x4096xf32, #tpu.memory_space<vmem>> -> memref<1x4096xf32, #tpu.memory_space<vmem>>
    %dma_start3A_26 = tpu.memref_squeeze %dma_start3A_25 : memref<1x4096xf32, #tpu.memory_space<vmem>> -> memref<4096xf32, #tpu.memory_space<vmem>>
    %dma_start3A_27 = arith.constant 0 : i32
    %dma_start3A_28 = tpu.memref_slice %arg2[%add3A_10, %dma_start3A_27] : memref<64x16384xf32, #tpu.memory_space<hbm>> -> memref<1x4096xf32, #tpu.memory_space<hbm>>
    %dma_start3A_29 = tpu.memref_squeeze %dma_start3A_28 : memref<1x4096xf32, #tpu.memory_space<hbm>> -> memref<4096xf32, #tpu.memory_space<hbm>>
    tpu.enqueue_dma source(%dma_start3A_29 : memref<4096xf32, #tpu.memory_space<hbm>>) target(%dma_start3A_26 : memref<4096xf32, #tpu.memory_space<vmem>>) target_semaphore(%arg12 : memref<!tpu.dma_semaphore, #tpu.memory_space<semaphore_mem>>)
    %dma_start3A_30 = arith.constant 4096 : i32
    %dma_start3A_31 = tpu.memref_slice %arg7[%dma_start3A_30] : memref<16384xi32, #tpu.memory_space<vmem>> -> memref<12288xi32, #tpu.memory_space<vmem>>
    %dma_start3A_32 = arith.constant 4096 : i32
    %dma_start3A_33 = tpu.memref_slice %arg3[%dma_start3A_32] : memref<16384xi32, #tpu.memory_space<hbm>> -> memref<12288xi32, #tpu.memory_space<hbm>>
    %dma_start3A_34 = arith.constant 4096 : i32
    %dma_start3A_35 = tpu.memref_slice %arg7[%dma_start3A_34] : memref<16384xi32, #tpu.memory_space<vmem>> -> memref<12288xi32, #tpu.memory_space<vmem>>
    %dma_start3A_36 = arith.constant 4096 : i32
    %dma_start3A_37 = tpu.memref_slice %arg3[%dma_start3A_36] : memref<16384xi32, #tpu.memory_space<hbm>> -> memref<12288xi32, #tpu.memory_space<hbm>>
    tpu.enqueue_dma source(%dma_start3A_37 : memref<12288xi32, #tpu.memory_space<hbm>>) target(%dma_start3A_35 : memref<12288xi32, #tpu.memory_space<vmem>>) target_semaphore(%arg10 : memref<!tpu.dma_semaphore, #tpu.memory_space<semaphore_mem>>)
    %dma_wait3A = arith.constant 0 : i32
    %dma_wait3A_38 = tpu.memref_slice %arg4[%add3A_10, %dma_wait3A] : memref<64x100000xf32, #tpu.memory_space<hbm>> -> memref<1x100000xf32, #tpu.memory_space<hbm>>
    %dma_wait3A_39 = tpu.memref_squeeze %dma_wait3A_38 : memref<1x100000xf32, #tpu.memory_space<hbm>> -> memref<100000xf32, #tpu.memory_space<hbm>>
    %dma_wait3A_40 = arith.constant 0 : i32
    %dma_wait3A_41 = tpu.memref_slice %arg4[%add3A_10, %dma_wait3A_40] : memref<64x100000xf32, #tpu.memory_space<hbm>> -> memref<1x100000xf32, #tpu.memory_space<hbm>>
    %dma_wait3A_42 = tpu.memref_squeeze %dma_wait3A_41 : memref<1x100000xf32, #tpu.memory_space<hbm>> -> memref<100000xf32, #tpu.memory_space<hbm>>
    tpu.wait_dma2 semaphore(%arg11 : memref<!tpu.dma_semaphore, #tpu.memory_space<semaphore_mem>>) src(%dma_wait3A_42 : memref<100000xf32, #tpu.memory_space<hbm>>) dst(%arg6 : memref<100000xf32, #tpu.memory_space<vmem>>)
    %dma_wait3A_43 = arith.constant 0 : i32
    %dma_wait3A_44 = tpu.memref_slice %arg7[%dma_wait3A_43] : memref<16384xi32, #tpu.memory_space<vmem>> -> memref<4096xi32, #tpu.memory_space<vmem>>
    %dma_wait3A_45 = arith.constant 0 : i32
    %dma_wait3A_46 = tpu.memref_slice %arg3[%dma_wait3A_45] : memref<16384xi32, #tpu.memory_space<hbm>> -> memref<4096xi32, #tpu.memory_space<hbm>>
    %dma_wait3A_47 = arith.constant 0 : i32
    %dma_wait3A_48 = tpu.memref_slice %arg7[%dma_wait3A_47] : memref<16384xi32, #tpu.memory_space<vmem>> -> memref<4096xi32, #tpu.memory_space<vmem>>
    %dma_wait3A_49 = arith.constant 0 : i32
    %dma_wait3A_50 = tpu.memref_slice %arg3[%dma_wait3A_49] : memref<16384xi32, #tpu.memory_space<hbm>> -> memref<4096xi32, #tpu.memory_space<hbm>>
    tpu.wait_dma2 semaphore(%arg10 : memref<!tpu.dma_semaphore, #tpu.memory_space<semaphore_mem>>) src(%dma_wait3A_50 : memref<4096xi32, #tpu.memory_space<hbm>>) dst(%dma_wait3A_48 : memref<4096xi32, #tpu.memory_space<vmem>>)
    %dma_start3A_51 = arith.constant 1 : i32
    %dma_start3A_52 = arith.constant 0 : i32
    %dma_start3A_53 = tpu.memref_slice %arg8[%dma_start3A_51, %dma_start3A_52] : memref<2x4096xf32, #tpu.memory_space<vmem>> -> memref<1x4096xf32, #tpu.memory_space<vmem>>
    %dma_start3A_54 = tpu.memref_squeeze %dma_start3A_53 : memref<1x4096xf32, #tpu.memory_space<vmem>> -> memref<4096xf32, #tpu.memory_space<vmem>>
    %dma_start3A_55 = arith.constant 4096 : i32
    %dma_start3A_56 = tpu.memref_slice %arg2[%add3A_10, %dma_start3A_55] : memref<64x16384xf32, #tpu.memory_space<hbm>> -> memref<1x4096xf32, #tpu.memory_space<hbm>>
    %dma_start3A_57 = tpu.memref_squeeze %dma_start3A_56 : memref<1x4096xf32, #tpu.memory_space<hbm>> -> memref<4096xf32, #tpu.memory_space<hbm>>
    %dma_start3A_58 = arith.constant 0 : i32
    %dma_start3A_59 = tpu.memref_slice %arg8[%dma_start3A_51, %dma_start3A_58] : memref<2x4096xf32, #tpu.memory_space<vmem>> -> memref<1x4096xf32, #tpu.memory_space<vmem>>
    %dma_start3A_60 = tpu.memref_squeeze %dma_start3A_59 : memref<1x4096xf32, #tpu.memory_space<vmem>> -> memref<4096xf32, #tpu.memory_space<vmem>>
    %dma_start3A_61 = arith.constant 4096 : i32
    %dma_start3A_62 = tpu.memref_slice %arg2[%add3A_10, %dma_start3A_61] : memref<64x16384xf32, #tpu.memory_space<hbm>> -> memref<1x4096xf32, #tpu.memory_space<hbm>>
    %dma_start3A_63 = tpu.memref_squeeze %dma_start3A_62 : memref<1x4096xf32, #tpu.memory_space<hbm>> -> memref<4096xf32, #tpu.memory_space<hbm>>
    tpu.enqueue_dma source(%dma_start3A_63 : memref<4096xf32, #tpu.memory_space<hbm>>) target(%dma_start3A_60 : memref<4096xf32, #tpu.memory_space<vmem>>) target_semaphore(%arg13 : memref<!tpu.dma_semaphore, #tpu.memory_space<semaphore_mem>>)
    %dma_wait3A_64 = arith.constant 0 : i32
    %dma_wait3A_65 = arith.constant 0 : i32
    %dma_wait3A_66 = tpu.memref_slice %arg8[%dma_wait3A_64, %dma_wait3A_65] : memref<2x4096xf32, #tpu.memory_space<vmem>> -> memref<1x4096xf32, #tpu.memory_space<vmem>>
    %dma_wait3A_67 = tpu.memref_squeeze %dma_wait3A_66 : memref<1x4096xf32, #tpu.memory_space<vmem>> -> memref<4096xf32, #tpu.memory_space<vmem>>
    %dma_wait3A_68 = arith.constant 0 : i32
    %dma_wait3A_69 = tpu.memref_slice %arg2[%add3A_10, %dma_wait3A_68] : memref<64x16384xf32, #tpu.memory_space<hbm>> -> memref<1x4096xf32, #tpu.memory_space<hbm>>
    %dma_wait3A_70 = tpu.memref_squeeze %dma_wait3A_69 : memref<1x4096xf32, #tpu.memory_space<hbm>> -> memref<4096xf32, #tpu.memory_space<hbm>>
    %dma_wait3A_71 = arith.constant 0 : i32
    %dma_wait3A_72 = tpu.memref_slice %arg8[%dma_wait3A_64, %dma_wait3A_71] : memref<2x4096xf32, #tpu.memory_space<vmem>> -> memref<1x4096xf32, #tpu.memory_space<vmem>>
    %dma_wait3A_73 = tpu.memref_squeeze %dma_wait3A_72 : memref<1x4096xf32, #tpu.memory_space<vmem>> -> memref<4096xf32, #tpu.memory_space<vmem>>
    %dma_wait3A_74 = arith.constant 0 : i32
    %dma_wait3A_75 = tpu.memref_slice %arg2[%add3A_10, %dma_wait3A_74] : memref<64x16384xf32, #tpu.memory_space<hbm>> -> memref<1x4096xf32, #tpu.memory_space<hbm>>
    %dma_wait3A_76 = tpu.memref_squeeze %dma_wait3A_75 : memref<1x4096xf32, #tpu.memory_space<hbm>> -> memref<4096xf32, #tpu.memory_space<hbm>>
    tpu.wait_dma2 semaphore(%arg12 : memref<!tpu.dma_semaphore, #tpu.memory_space<semaphore_mem>>) src(%dma_wait3A_76 : memref<4096xf32, #tpu.memory_space<hbm>>) dst(%dma_wait3A_73 : memref<4096xf32, #tpu.memory_space<vmem>>)
    %parallel_loop3A = arith.constant 0 : i32
    %parallel_loop3A_77 = arith.constant 256 : i32
    %parallel_loop3A_78 = arith.constant 1 : i32
    %parallel_loop3A_79 = scf.for %parallel_loop3A_302 = %parallel_loop3A to %parallel_loop3A_77 step %parallel_loop3A_78 iter_args(%parallel_loop3A_303 = %broadcast_in_dim3A_8) -> (vector<16xf32>)  : i32 {
      %parallel_loop3A_304 = arith.constant 16 : i32
      %parallel_loop3A_305 = arith.muli %parallel_loop3A_302, %parallel_loop3A_304 : i32
      %parallel_loop3A_306 = arith.constant 0 : i32
      %parallel_loop3A_307 = arith.addi %parallel_loop3A_306, %parallel_loop3A_305 : i32
      %parallel_loop3A_308 = arith.index_cast %parallel_loop3A_307 : i32 to index
      %parallel_loop3A_309 = tpu.vector_load %arg7[%parallel_loop3A_308] {strides = array<i32>} : memref<16384xi32, #tpu.memory_space<vmem>>, vector<16xi32>,
      %parallel_loop3A_310 = arith.constant 16 : i32
      %parallel_loop3A_311 = arith.muli %parallel_loop3A_302, %parallel_loop3A_310 : i32
      %parallel_loop3A_312 = arith.constant 0 : i32
      %parallel_loop3A_313 = arith.index_cast %parallel_loop3A_312 : i32 to index
      %parallel_loop3A_314 = arith.index_cast %parallel_loop3A_311 : i32 to index
      %parallel_loop3A_315 = tpu.vector_load %arg8[%parallel_loop3A_313, %parallel_loop3A_314] {strides = array<i32>} : memref<2x4096xf32, #tpu.memory_space<vmem>>, vector<16xf32>,
      %parallel_loop3A_316 = tpu.vector_load_idx %arg6[%parallel_loop3A_309] : memref<100000xf32, #tpu.memory_space<vmem>>[vector<16xi32>], vector<16xf32>,
      %parallel_loop3A_317 = arith.subf %parallel_loop3A_315, %parallel_loop3A_316 : vector<16xf32>
      %parallel_loop3A_318 = arith.mulf %parallel_loop3A_317, %parallel_loop3A_317 : vector<16xf32>
      %parallel_loop3A_319 = arith.addf %parallel_loop3A_303, %parallel_loop3A_318 : vector<16xf32>
      scf.yield %parallel_loop3A_319 : vector<16xf32>
    } {sc.loop_unroll_factor = 8 : i64, sc.parallel_access}
    %dma_start3A_80 = arith.constant 0 : i32
    %dma_start3A_81 = arith.constant 0 : i32
    %dma_start3A_82 = tpu.memref_slice %arg8[%dma_start3A_80, %dma_start3A_81] : memref<2x4096xf32, #tpu.memory_space<vmem>> -> memref<1x4096xf32, #tpu.memory_space<vmem>>
    %dma_start3A_83 = tpu.memref_squeeze %dma_start3A_82 : memref<1x4096xf32, #tpu.memory_space<vmem>> -> memref<4096xf32, #tpu.memory_space<vmem>>
    %dma_start3A_84 = arith.constant 8192 : i32
    %dma_start3A_85 = tpu.memref_slice %arg2[%add3A_10, %dma_start3A_84] : memref<64x16384xf32, #tpu.memory_space<hbm>> -> memref<1x4096xf32, #tpu.memory_space<hbm>>
    %dma_start3A_86 = tpu.memref_squeeze %dma_start3A_85 : memref<1x4096xf32, #tpu.memory_space<hbm>> -> memref<4096xf32, #tpu.memory_space<hbm>>
    %dma_start3A_87 = arith.constant 0 : i32
    %dma_start3A_88 = tpu.memref_slice %arg8[%dma_start3A_80, %dma_start3A_87] : memref<2x4096xf32, #tpu.memory_space<vmem>> -> memref<1x4096xf32, #tpu.memory_space<vmem>>
    %dma_start3A_89 = tpu.memref_squeeze %dma_start3A_88 : memref<1x4096xf32, #tpu.memory_space<vmem>> -> memref<4096xf32, #tpu.memory_space<vmem>>
    %dma_start3A_90 = arith.constant 8192 : i32
    %dma_start3A_91 = tpu.memref_slice %arg2[%add3A_10, %dma_start3A_90] : memref<64x16384xf32, #tpu.memory_space<hbm>> -> memref<1x4096xf32, #tpu.memory_space<hbm>>
    %dma_start3A_92 = tpu.memref_squeeze %dma_start3A_91 : memref<1x4096xf32, #tpu.memory_space<hbm>> -> memref<4096xf32, #tpu.memory_space<hbm>>
    tpu.enqueue_dma source(%dma_start3A_92 : memref<4096xf32, #tpu.memory_space<hbm>>) target(%dma_start3A_89 : memref<4096xf32, #tpu.memory_space<vmem>>) target_semaphore(%arg12 : memref<!tpu.dma_semaphore, #tpu.memory_space<semaphore_mem>>)
    %dma_wait3A_93 = arith.constant 1 : i32
    %dma_wait3A_94 = arith.constant 0 : i32
    %dma_wait3A_95 = tpu.memref_slice %arg8[%dma_wait3A_93, %dma_wait3A_94] : memref<2x4096xf32, #tpu.memory_space<vmem>> -> memref<1x4096xf32, #tpu.memory_space<vmem>>
    %dma_wait3A_96 = tpu.memref_squeeze %dma_wait3A_95 : memref<1x4096xf32, #tpu.memory_space<vmem>> -> memref<4096xf32, #tpu.memory_space<vmem>>
    %dma_wait3A_97 = arith.constant 4096 : i32
    %dma_wait3A_98 = tpu.memref_slice %arg2[%add3A_10, %dma_wait3A_97] : memref<64x16384xf32, #tpu.memory_space<hbm>> -> memref<1x4096xf32, #tpu.memory_space<hbm>>
    %dma_wait3A_99 = tpu.memref_squeeze %dma_wait3A_98 : memref<1x4096xf32, #tpu.memory_space<hbm>> -> memref<4096xf32, #tpu.memory_space<hbm>>
    %dma_wait3A_100 = arith.constant 0 : i32
    %dma_wait3A_101 = tpu.memref_slice %arg8[%dma_wait3A_93, %dma_wait3A_100] : memref<2x4096xf32, #tpu.memory_space<vmem>> -> memref<1x4096xf32, #tpu.memory_space<vmem>>
    %dma_wait3A_102 = tpu.memref_squeeze %dma_wait3A_101 : memref<1x4096xf32, #tpu.memory_space<vmem>> -> memref<4096xf32, #tpu.memory_space<vmem>>
    %dma_wait3A_103 = arith.constant 4096 : i32
    %dma_wait3A_104 = tpu.memref_slice %arg2[%add3A_10, %dma_wait3A_103] : memref<64x16384xf32, #tpu.memory_space<hbm>> -> memref<1x4096xf32, #tpu.memory_space<hbm>>
    %dma_wait3A_105 = tpu.memref_squeeze %dma_wait3A_104 : memref<1x4096xf32, #tpu.memory_space<hbm>> -> memref<4096xf32, #tpu.memory_space<hbm>>
    tpu.wait_dma2 semaphore(%arg13 : memref<!tpu.dma_semaphore, #tpu.memory_space<semaphore_mem>>) src(%dma_wait3A_105 : memref<4096xf32, #tpu.memory_space<hbm>>) dst(%dma_wait3A_102 : memref<4096xf32, #tpu.memory_space<vmem>>)
    %dma_wait3A_106 = arith.constant 4096 : i32
    %dma_wait3A_107 = tpu.memref_slice %arg7[%dma_wait3A_106] : memref<16384xi32, #tpu.memory_space<vmem>> -> memref<12288xi32, #tpu.memory_space<vmem>>
    %dma_wait3A_108 = arith.constant 4096 : i32
    %dma_wait3A_109 = tpu.memref_slice %arg3[%dma_wait3A_108] : memref<16384xi32, #tpu.memory_space<hbm>> -> memref<12288xi32, #tpu.memory_space<hbm>>
    %dma_wait3A_110 = arith.constant 4096 : i32
    %dma_wait3A_111 = tpu.memref_slice %arg7[%dma_wait3A_110] : memref<16384xi32, #tpu.memory_space<vmem>> -> memref<12288xi32, #tpu.memory_space<vmem>>
    %dma_wait3A_112 = arith.constant 4096 : i32
    %dma_wait3A_113 = tpu.memref_slice %arg3[%dma_wait3A_112] : memref<16384xi32, #tpu.memory_space<hbm>> -> memref<12288xi32, #tpu.memory_space<hbm>>
    tpu.wait_dma2 semaphore(%arg10 : memref<!tpu.dma_semaphore, #tpu.memory_space<semaphore_mem>>) src(%dma_wait3A_113 : memref<12288xi32, #tpu.memory_space<hbm>>) dst(%dma_wait3A_111 : memref<12288xi32, #tpu.memory_space<vmem>>)
    %parallel_loop3A_114 = arith.constant 0 : i32
    %parallel_loop3A_115 = arith.constant 256 : i32
    %parallel_loop3A_116 = arith.constant 1 : i32
    %parallel_loop3A_117 = scf.for %parallel_loop3A_302 = %parallel_loop3A_114 to %parallel_loop3A_115 step %parallel_loop3A_116 iter_args(%parallel_loop3A_303 = %parallel_loop3A_79) -> (vector<16xf32>)  : i32 {
      %parallel_loop3A_304 = arith.constant 16 : i32
      %parallel_loop3A_305 = arith.muli %parallel_loop3A_302, %parallel_loop3A_304 : i32
      %parallel_loop3A_306 = arith.constant 4096 : i32
      %parallel_loop3A_307 = arith.addi %parallel_loop3A_306, %parallel_loop3A_305 : i32
      %parallel_loop3A_308 = arith.index_cast %parallel_loop3A_307 : i32 to index
      %parallel_loop3A_309 = tpu.vector_load %arg7[%parallel_loop3A_308] {strides = array<i32>} : memref<16384xi32, #tpu.memory_space<vmem>>, vector<16xi32>,
      %parallel_loop3A_310 = arith.constant 16 : i32
      %parallel_loop3A_311 = arith.muli %parallel_loop3A_302, %parallel_loop3A_310 : i32
      %parallel_loop3A_312 = arith.constant 1 : i32
      %parallel_loop3A_313 = arith.index_cast %parallel_loop3A_312 : i32 to index
      %parallel_loop3A_314 = arith.index_cast %parallel_loop3A_311 : i32 to index
      %parallel_loop3A_315 = tpu.vector_load %arg8[%parallel_loop3A_313, %parallel_loop3A_314] {strides = array<i32>} : memref<2x4096xf32, #tpu.memory_space<vmem>>, vector<16xf32>,
      %parallel_loop3A_316 = tpu.vector_load_idx %arg6[%parallel_loop3A_309] : memref<100000xf32, #tpu.memory_space<vmem>>[vector<16xi32>], vector<16xf32>,
      %parallel_loop3A_317 = arith.subf %parallel_loop3A_315, %parallel_loop3A_316 : vector<16xf32>
      %parallel_loop3A_318 = arith.mulf %parallel_loop3A_317, %parallel_loop3A_317 : vector<16xf32>
      %parallel_loop3A_319 = arith.addf %parallel_loop3A_303, %parallel_loop3A_318 : vector<16xf32>
      scf.yield %parallel_loop3A_319 : vector<16xf32>
    } {sc.loop_unroll_factor = 8 : i64, sc.parallel_access}
    %dma_start3A_118 = arith.constant 1 : i32
    %dma_start3A_119 = arith.constant 0 : i32
    %dma_start3A_120 = tpu.memref_slice %arg8[%dma_start3A_118, %dma_start3A_119] : memref<2x4096xf32, #tpu.memory_space<vmem>> -> memref<1x4096xf32, #tpu.memory_space<vmem>>
    %dma_start3A_121 = tpu.memref_squeeze %dma_start3A_120 : memref<1x4096xf32, #tpu.memory_space<vmem>> -> memref<4096xf32, #tpu.memory_space<vmem>>
    %dma_start3A_122 = arith.constant 12288 : i32
    %dma_start3A_123 = tpu.memref_slice %arg2[%add3A_10, %dma_start3A_122] : memref<64x16384xf32, #tpu.memory_space<hbm>> -> memref<1x4096xf32, #tpu.memory_space<hbm>>
    %dma_start3A_124 = tpu.memref_squeeze %dma_start3A_123 : memref<1x4096xf32, #tpu.memory_space<hbm>> -> memref<4096xf32, #tpu.memory_space<hbm>>
    %dma_start3A_125 = arith.constant 0 : i32
    %dma_start3A_126 = tpu.memref_slice %arg8[%dma_start3A_118, %dma_start3A_125] : memref<2x4096xf32, #tpu.memory_space<vmem>> -> memref<1x4096xf32, #tpu.memory_space<vmem>>
    %dma_start3A_127 = tpu.memref_squeeze %dma_start3A_126 : memref<1x4096xf32, #tpu.memory_space<vmem>> -> memref<4096xf32, #tpu.memory_space<vmem>>
    %dma_start3A_128 = arith.constant 12288 : i32
    %dma_start3A_129 = tpu.memref_slice %arg2[%add3A_10, %dma_start3A_128] : memref<64x16384xf32, #tpu.memory_space<hbm>> -> memref<1x4096xf32, #tpu.memory_space<hbm>>
    %dma_start3A_130 = tpu.memref_squeeze %dma_start3A_129 : memref<1x4096xf32, #tpu.memory_space<hbm>> -> memref<4096xf32, #tpu.memory_space<hbm>>
    tpu.enqueue_dma source(%dma_start3A_130 : memref<4096xf32, #tpu.memory_space<hbm>>) target(%dma_start3A_127 : memref<4096xf32, #tpu.memory_space<vmem>>) target_semaphore(%arg13 : memref<!tpu.dma_semaphore, #tpu.memory_space<semaphore_mem>>)
    %dma_wait3A_131 = arith.constant 0 : i32
    %dma_wait3A_132 = arith.constant 0 : i32
    %dma_wait3A_133 = tpu.memref_slice %arg8[%dma_wait3A_131, %dma_wait3A_132] : memref<2x4096xf32, #tpu.memory_space<vmem>> -> memref<1x4096xf32, #tpu.memory_space<vmem>>
    %dma_wait3A_134 = tpu.memref_squeeze %dma_wait3A_133 : memref<1x4096xf32, #tpu.memory_space<vmem>> -> memref<4096xf32, #tpu.memory_space<vmem>>
    %dma_wait3A_135 = arith.constant 8192 : i32
    %dma_wait3A_136 = tpu.memref_slice %arg2[%add3A_10, %dma_wait3A_135] : memref<64x16384xf32, #tpu.memory_space<hbm>> -> memref<1x4096xf32, #tpu.memory_space<hbm>>
    %dma_wait3A_137 = tpu.memref_squeeze %dma_wait3A_136 : memref<1x4096xf32, #tpu.memory_space<hbm>> -> memref<4096xf32, #tpu.memory_space<hbm>>
    %dma_wait3A_138 = arith.constant 0 : i32
    %dma_wait3A_139 = tpu.memref_slice %arg8[%dma_wait3A_131, %dma_wait3A_138] : memref<2x4096xf32, #tpu.memory_space<vmem>> -> memref<1x4096xf32, #tpu.memory_space<vmem>>
    %dma_wait3A_140 = tpu.memref_squeeze %dma_wait3A_139 : memref<1x4096xf32, #tpu.memory_space<vmem>> -> memref<4096xf32, #tpu.memory_space<vmem>>
    %dma_wait3A_141 = arith.constant 8192 : i32
    %dma_wait3A_142 = tpu.memref_slice %arg2[%add3A_10, %dma_wait3A_141] : memref<64x16384xf32, #tpu.memory_space<hbm>> -> memref<1x4096xf32, #tpu.memory_space<hbm>>
    %dma_wait3A_143 = tpu.memref_squeeze %dma_wait3A_142 : memref<1x4096xf32, #tpu.memory_space<hbm>> -> memref<4096xf32, #tpu.memory_space<hbm>>
    tpu.wait_dma2 semaphore(%arg12 : memref<!tpu.dma_semaphore, #tpu.memory_space<semaphore_mem>>) src(%dma_wait3A_143 : memref<4096xf32, #tpu.memory_space<hbm>>) dst(%dma_wait3A_140 : memref<4096xf32, #tpu.memory_space<vmem>>)
    %parallel_loop3A_144 = arith.constant 0 : i32
    %parallel_loop3A_145 = arith.constant 256 : i32
    %parallel_loop3A_146 = arith.constant 1 : i32
    %parallel_loop3A_147 = scf.for %parallel_loop3A_302 = %parallel_loop3A_144 to %parallel_loop3A_145 step %parallel_loop3A_146 iter_args(%parallel_loop3A_303 = %parallel_loop3A_117) -> (vector<16xf32>)  : i32 {
      %parallel_loop3A_304 = arith.constant 16 : i32
      %parallel_loop3A_305 = arith.muli %parallel_loop3A_302, %parallel_loop3A_304 : i32
      %parallel_loop3A_306 = arith.constant 8192 : i32
      %parallel_loop3A_307 = arith.addi %parallel_loop3A_306, %parallel_loop3A_305 : i32
      %parallel_loop3A_308 = arith.index_cast %parallel_loop3A_307 : i32 to index
      %parallel_loop3A_309 = tpu.vector_load %arg7[%parallel_loop3A_308] {strides = array<i32>} : memref<16384xi32, #tpu.memory_space<vmem>>, vector<16xi32>,
      %parallel_loop3A_310 = arith.constant 16 : i32
      %parallel_loop3A_311 = arith.muli %parallel_loop3A_302, %parallel_loop3A_310 : i32
      %parallel_loop3A_312 = arith.constant 0 : i32
      %parallel_loop3A_313 = arith.index_cast %parallel_loop3A_312 : i32 to index
      %parallel_loop3A_314 = arith.index_cast %parallel_loop3A_311 : i32 to index
      %parallel_loop3A_315 = tpu.vector_load %arg8[%parallel_loop3A_313, %parallel_loop3A_314] {strides = array<i32>} : memref<2x4096xf32, #tpu.memory_space<vmem>>, vector<16xf32>,
      %parallel_loop3A_316 = tpu.vector_load_idx %arg6[%parallel_loop3A_309] : memref<100000xf32, #tpu.memory_space<vmem>>[vector<16xi32>], vector<16xf32>,
      %parallel_loop3A_317 = arith.subf %parallel_loop3A_315, %parallel_loop3A_316 : vector<16xf32>
      %parallel_loop3A_318 = arith.mulf %parallel_loop3A_317, %parallel_loop3A_317 : vector<16xf32>
      %parallel_loop3A_319 = arith.addf %parallel_loop3A_303, %parallel_loop3A_318 : vector<16xf32>
      scf.yield %parallel_loop3A_319 : vector<16xf32>
    } {sc.loop_unroll_factor = 8 : i64, sc.parallel_access}
    %dma_wait3A_148 = arith.constant 1 : i32
    %dma_wait3A_149 = arith.constant 0 : i32
    %dma_wait3A_150 = tpu.memref_slice %arg8[%dma_wait3A_148, %dma_wait3A_149] : memref<2x4096xf32, #tpu.memory_space<vmem>> -> memref<1x4096xf32, #tpu.memory_space<vmem>>
    %dma_wait3A_151 = tpu.memref_squeeze %dma_wait3A_150 : memref<1x4096xf32, #tpu.memory_space<vmem>> -> memref<4096xf32, #tpu.memory_space<vmem>>
    %dma_wait3A_152 = arith.constant 12288 : i32
    %dma_wait3A_153 = tpu.memref_slice %arg2[%add3A_10, %dma_wait3A_152] : memref<64x16384xf32, #tpu.memory_space<hbm>> -> memref<1x4096xf32, #tpu.memory_space<hbm>>
    %dma_wait3A_154 = tpu.memref_squeeze %dma_wait3A_153 : memref<1x4096xf32, #tpu.memory_space<hbm>> -> memref<4096xf32, #tpu.memory_space<hbm>>
    %dma_wait3A_155 = arith.constant 0 : i32
    %dma_wait3A_156 = tpu.memref_slice %arg8[%dma_wait3A_148, %dma_wait3A_155] : memref<2x4096xf32, #tpu.memory_space<vmem>> -> memref<1x4096xf32, #tpu.memory_space<vmem>>
    %dma_wait3A_157 = tpu.memref_squeeze %dma_wait3A_156 : memref<1x4096xf32, #tpu.memory_space<vmem>> -> memref<4096xf32, #tpu.memory_space<vmem>>
    %dma_wait3A_158 = arith.constant 12288 : i32
    %dma_wait3A_159 = tpu.memref_slice %arg2[%add3A_10, %dma_wait3A_158] : memref<64x16384xf32, #tpu.memory_space<hbm>> -> memref<1x4096xf32, #tpu.memory_space<hbm>>
    %dma_wait3A_160 = tpu.memref_squeeze %dma_wait3A_159 : memref<1x4096xf32, #tpu.memory_space<hbm>> -> memref<4096xf32, #tpu.memory_space<hbm>>
    tpu.wait_dma2 semaphore(%arg13 : memref<!tpu.dma_semaphore, #tpu.memory_space<semaphore_mem>>) src(%dma_wait3A_160 : memref<4096xf32, #tpu.memory_space<hbm>>) dst(%dma_wait3A_157 : memref<4096xf32, #tpu.memory_space<vmem>>)
    %parallel_loop3A_161 = arith.constant 0 : i32
    %parallel_loop3A_162 = arith.constant 256 : i32
    %parallel_loop3A_163 = arith.constant 1 : i32
    %parallel_loop3A_164 = scf.for %parallel_loop3A_302 = %parallel_loop3A_161 to %parallel_loop3A_162 step %parallel_loop3A_163 iter_args(%parallel_loop3A_303 = %parallel_loop3A_147) -> (vector<16xf32>)  : i32 {
      %parallel_loop3A_304 = arith.constant 16 : i32
      %parallel_loop3A_305 = arith.muli %parallel_loop3A_302, %parallel_loop3A_304 : i32
      %parallel_loop3A_306 = arith.constant 12288 : i32
      %parallel_loop3A_307 = arith.addi %parallel_loop3A_306, %parallel_loop3A_305 : i32
      %parallel_loop3A_308 = arith.index_cast %parallel_loop3A_307 : i32 to index
      %parallel_loop3A_309 = tpu.vector_load %arg7[%parallel_loop3A_308] {strides = array<i32>} : memref<16384xi32, #tpu.memory_space<vmem>>, vector<16xi32>,
      %parallel_loop3A_310 = arith.constant 16 : i32
      %parallel_loop3A_311 = arith.muli %parallel_loop3A_302, %parallel_loop3A_310 : i32
      %parallel_loop3A_312 = arith.constant 1 : i32
      %parallel_loop3A_313 = arith.index_cast %parallel_loop3A_312 : i32 to index
      %parallel_loop3A_314 = arith.index_cast %parallel_loop3A_311 : i32 to index
      %parallel_loop3A_315 = tpu.vector_load %arg8[%parallel_loop3A_313, %parallel_loop3A_314] {strides = array<i32>} : memref<2x4096xf32, #tpu.memory_space<vmem>>, vector<16xf32>,
      %parallel_loop3A_316 = tpu.vector_load_idx %arg6[%parallel_loop3A_309] : memref<100000xf32, #tpu.memory_space<vmem>>[vector<16xi32>], vector<16xf32>,
      %parallel_loop3A_317 = arith.subf %parallel_loop3A_315, %parallel_loop3A_316 : vector<16xf32>
      %parallel_loop3A_318 = arith.mulf %parallel_loop3A_317, %parallel_loop3A_317 : vector<16xf32>
      %parallel_loop3A_319 = arith.addf %parallel_loop3A_303, %parallel_loop3A_318 : vector<16xf32>
      scf.yield %parallel_loop3A_319 : vector<16xf32>
    } {sc.loop_unroll_factor = 8 : i64, sc.parallel_access}
    %add3A_165 = arith.constant 32 : i32
    %add3A_166 = arith.addi %add3A, %add3A_165 : i32
    %dma_start3A_167 = arith.constant 0 : i32
    %dma_start3A_168 = tpu.memref_slice %arg4[%add3A_166, %dma_start3A_167] : memref<64x100000xf32, #tpu.memory_space<hbm>> -> memref<1x100000xf32, #tpu.memory_space<hbm>>
    %dma_start3A_169 = tpu.memref_squeeze %dma_start3A_168 : memref<1x100000xf32, #tpu.memory_space<hbm>> -> memref<100000xf32, #tpu.memory_space<hbm>>
    %dma_start3A_170 = arith.constant 0 : i32
    %dma_start3A_171 = tpu.memref_slice %arg4[%add3A_166, %dma_start3A_170] : memref<64x100000xf32, #tpu.memory_space<hbm>> -> memref<1x100000xf32, #tpu.memory_space<hbm>>
    %dma_start3A_172 = tpu.memref_squeeze %dma_start3A_171 : memref<1x100000xf32, #tpu.memory_space<hbm>> -> memref<100000xf32, #tpu.memory_space<hbm>>
    tpu.enqueue_dma source(%dma_start3A_172 : memref<100000xf32, #tpu.memory_space<hbm>>) target(%arg6 : memref<100000xf32, #tpu.memory_space<vmem>>) target_semaphore(%arg11 : memref<!tpu.dma_semaphore, #tpu.memory_space<semaphore_mem>>)
    %dma_start3A_173 = arith.constant 0 : i32
    %dma_start3A_174 = arith.constant 0 : i32
    %dma_start3A_175 = tpu.memref_slice %arg8[%dma_start3A_173, %dma_start3A_174] : memref<2x4096xf32, #tpu.memory_space<vmem>> -> memref<1x4096xf32, #tpu.memory_space<vmem>>
    %dma_start3A_176 = tpu.memref_squeeze %dma_start3A_175 : memref<1x4096xf32, #tpu.memory_space<vmem>> -> memref<4096xf32, #tpu.memory_space<vmem>>
    %dma_start3A_177 = arith.constant 0 : i32
    %dma_start3A_178 = tpu.memref_slice %arg2[%add3A_166, %dma_start3A_177] : memref<64x16384xf32, #tpu.memory_space<hbm>> -> memref<1x4096xf32, #tpu.memory_space<hbm>>
    %dma_start3A_179 = tpu.memref_squeeze %dma_start3A_178 : memref<1x4096xf32, #tpu.memory_space<hbm>> -> memref<4096xf32, #tpu.memory_space<hbm>>
    %dma_start3A_180 = arith.constant 0 : i32
    %dma_start3A_181 = tpu.memref_slice %arg8[%dma_start3A_173, %dma_start3A_180] : memref<2x4096xf32, #tpu.memory_space<vmem>> -> memref<1x4096xf32, #tpu.memory_space<vmem>>
    %dma_start3A_182 = tpu.memref_squeeze %dma_start3A_181 : memref<1x4096xf32, #tpu.memory_space<vmem>> -> memref<4096xf32, #tpu.memory_space<vmem>>
    %dma_start3A_183 = arith.constant 0 : i32
    %dma_start3A_184 = tpu.memref_slice %arg2[%add3A_166, %dma_start3A_183] : memref<64x16384xf32, #tpu.memory_space<hbm>> -> memref<1x4096xf32, #tpu.memory_space<hbm>>
    %dma_start3A_185 = tpu.memref_squeeze %dma_start3A_184 : memref<1x4096xf32, #tpu.memory_space<hbm>> -> memref<4096xf32, #tpu.memory_space<hbm>>
    tpu.enqueue_dma source(%dma_start3A_185 : memref<4096xf32, #tpu.memory_space<hbm>>) target(%dma_start3A_182 : memref<4096xf32, #tpu.memory_space<vmem>>) target_semaphore(%arg12 : memref<!tpu.dma_semaphore, #tpu.memory_space<semaphore_mem>>)
    %dma_wait3A_186 = arith.constant 0 : i32
    %dma_wait3A_187 = tpu.memref_slice %arg4[%add3A_166, %dma_wait3A_186] : memref<64x100000xf32, #tpu.memory_space<hbm>> -> memref<1x100000xf32, #tpu.memory_space<hbm>>
    %dma_wait3A_188 = tpu.memref_squeeze %dma_wait3A_187 : memref<1x100000xf32, #tpu.memory_space<hbm>> -> memref<100000xf32, #tpu.memory_space<hbm>>
    %dma_wait3A_189 = arith.constant 0 : i32
    %dma_wait3A_190 = tpu.memref_slice %arg4[%add3A_166, %dma_wait3A_189] : memref<64x100000xf32, #tpu.memory_space<hbm>> -> memref<1x100000xf32, #tpu.memory_space<hbm>>
    %dma_wait3A_191 = tpu.memref_squeeze %dma_wait3A_190 : memref<1x100000xf32, #tpu.memory_space<hbm>> -> memref<100000xf32, #tpu.memory_space<hbm>>
    tpu.wait_dma2 semaphore(%arg11 : memref<!tpu.dma_semaphore, #tpu.memory_space<semaphore_mem>>) src(%dma_wait3A_191 : memref<100000xf32, #tpu.memory_space<hbm>>) dst(%arg6 : memref<100000xf32, #tpu.memory_space<vmem>>)
    %dma_start3A_192 = arith.constant 1 : i32
    %dma_start3A_193 = arith.constant 0 : i32
    %dma_start3A_194 = tpu.memref_slice %arg8[%dma_start3A_192, %dma_start3A_193] : memref<2x4096xf32, #tpu.memory_space<vmem>> -> memref<1x4096xf32, #tpu.memory_space<vmem>>
    %dma_start3A_195 = tpu.memref_squeeze %dma_start3A_194 : memref<1x4096xf32, #tpu.memory_space<vmem>> -> memref<4096xf32, #tpu.memory_space<vmem>>
    %dma_start3A_196 = arith.constant 4096 : i32
    %dma_start3A_197 = tpu.memref_slice %arg2[%add3A_166, %dma_start3A_196] : memref<64x16384xf32, #tpu.memory_space<hbm>> -> memref<1x4096xf32, #tpu.memory_space<hbm>>
    %dma_start3A_198 = tpu.memref_squeeze %dma_start3A_197 : memref<1x4096xf32, #tpu.memory_space<hbm>> -> memref<4096xf32, #tpu.memory_space<hbm>>
    %dma_start3A_199 = arith.constant 0 : i32
    %dma_start3A_200 = tpu.memref_slice %arg8[%dma_start3A_192, %dma_start3A_199] : memref<2x4096xf32, #tpu.memory_space<vmem>> -> memref<1x4096xf32, #tpu.memory_space<vmem>>
    %dma_start3A_201 = tpu.memref_squeeze %dma_start3A_200 : memref<1x4096xf32, #tpu.memory_space<vmem>> -> memref<4096xf32, #tpu.memory_space<vmem>>
    %dma_start3A_202 = arith.constant 4096 : i32
    %dma_start3A_203 = tpu.memref_slice %arg2[%add3A_166, %dma_start3A_202] : memref<64x16384xf32, #tpu.memory_space<hbm>> -> memref<1x4096xf32, #tpu.memory_space<hbm>>
    %dma_start3A_204 = tpu.memref_squeeze %dma_start3A_203 : memref<1x4096xf32, #tpu.memory_space<hbm>> -> memref<4096xf32, #tpu.memory_space<hbm>>
    tpu.enqueue_dma source(%dma_start3A_204 : memref<4096xf32, #tpu.memory_space<hbm>>) target(%dma_start3A_201 : memref<4096xf32, #tpu.memory_space<vmem>>) target_semaphore(%arg13 : memref<!tpu.dma_semaphore, #tpu.memory_space<semaphore_mem>>)
    %dma_wait3A_205 = arith.constant 0 : i32
    %dma_wait3A_206 = arith.constant 0 : i32
    %dma_wait3A_207 = tpu.memref_slice %arg8[%dma_wait3A_205, %dma_wait3A_206] : memref<2x4096xf32, #tpu.memory_space<vmem>> -> memref<1x4096xf32, #tpu.memory_space<vmem>>
    %dma_wait3A_208 = tpu.memref_squeeze %dma_wait3A_207 : memref<1x4096xf32, #tpu.memory_space<vmem>> -> memref<4096xf32, #tpu.memory_space<vmem>>
    %dma_wait3A_209 = arith.constant 0 : i32
    %dma_wait3A_210 = tpu.memref_slice %arg2[%add3A_166, %dma_wait3A_209] : memref<64x16384xf32, #tpu.memory_space<hbm>> -> memref<1x4096xf32, #tpu.memory_space<hbm>>
    %dma_wait3A_211 = tpu.memref_squeeze %dma_wait3A_210 : memref<1x4096xf32, #tpu.memory_space<hbm>> -> memref<4096xf32, #tpu.memory_space<hbm>>
    %dma_wait3A_212 = arith.constant 0 : i32
    %dma_wait3A_213 = tpu.memref_slice %arg8[%dma_wait3A_205, %dma_wait3A_212] : memref<2x4096xf32, #tpu.memory_space<vmem>> -> memref<1x4096xf32, #tpu.memory_space<vmem>>
    %dma_wait3A_214 = tpu.memref_squeeze %dma_wait3A_213 : memref<1x4096xf32, #tpu.memory_space<vmem>> -> memref<4096xf32, #tpu.memory_space<vmem>>
    %dma_wait3A_215 = arith.constant 0 : i32
    %dma_wait3A_216 = tpu.memref_slice %arg2[%add3A_166, %dma_wait3A_215] : memref<64x16384xf32, #tpu.memory_space<hbm>> -> memref<1x4096xf32, #tpu.memory_space<hbm>>
    %dma_wait3A_217 = tpu.memref_squeeze %dma_wait3A_216 : memref<1x4096xf32, #tpu.memory_space<hbm>> -> memref<4096xf32, #tpu.memory_space<hbm>>
    tpu.wait_dma2 semaphore(%arg12 : memref<!tpu.dma_semaphore, #tpu.memory_space<semaphore_mem>>) src(%dma_wait3A_217 : memref<4096xf32, #tpu.memory_space<hbm>>) dst(%dma_wait3A_214 : memref<4096xf32, #tpu.memory_space<vmem>>)
    %parallel_loop3A_218 = arith.constant 0 : i32
    %parallel_loop3A_219 = arith.constant 256 : i32
    %parallel_loop3A_220 = arith.constant 1 : i32
    %parallel_loop3A_221 = scf.for %parallel_loop3A_302 = %parallel_loop3A_218 to %parallel_loop3A_219 step %parallel_loop3A_220 iter_args(%parallel_loop3A_303 = %parallel_loop3A_164) -> (vector<16xf32>)  : i32 {
      %parallel_loop3A_304 = arith.constant 16 : i32
      %parallel_loop3A_305 = arith.muli %parallel_loop3A_302, %parallel_loop3A_304 : i32
      %parallel_loop3A_306 = arith.constant 0 : i32
      %parallel_loop3A_307 = arith.addi %parallel_loop3A_306, %parallel_loop3A_305 : i32
      %parallel_loop3A_308 = arith.index_cast %parallel_loop3A_307 : i32 to index
      %parallel_loop3A_309 = tpu.vector_load %arg7[%parallel_loop3A_308] {strides = array<i32>} : memref<16384xi32, #tpu.memory_space<vmem>>, vector<16xi32>,
      %parallel_loop3A_310 = arith.constant 16 : i32
      %parallel_loop3A_311 = arith.muli %parallel_loop3A_302, %parallel_loop3A_310 : i32
      %parallel_loop3A_312 = arith.constant 0 : i32
      %parallel_loop3A_313 = arith.index_cast %parallel_loop3A_312 : i32 to index
      %parallel_loop3A_314 = arith.index_cast %parallel_loop3A_311 : i32 to index
      %parallel_loop3A_315 = tpu.vector_load %arg8[%parallel_loop3A_313, %parallel_loop3A_314] {strides = array<i32>} : memref<2x4096xf32, #tpu.memory_space<vmem>>, vector<16xf32>,
      %parallel_loop3A_316 = tpu.vector_load_idx %arg6[%parallel_loop3A_309] : memref<100000xf32, #tpu.memory_space<vmem>>[vector<16xi32>], vector<16xf32>,
      %parallel_loop3A_317 = arith.subf %parallel_loop3A_315, %parallel_loop3A_316 : vector<16xf32>
      %parallel_loop3A_318 = arith.mulf %parallel_loop3A_317, %parallel_loop3A_317 : vector<16xf32>
      %parallel_loop3A_319 = arith.addf %parallel_loop3A_303, %parallel_loop3A_318 : vector<16xf32>
      scf.yield %parallel_loop3A_319 : vector<16xf32>
    } {sc.loop_unroll_factor = 8 : i64, sc.parallel_access}
    %dma_start3A_222 = arith.constant 0 : i32
    %dma_start3A_223 = arith.constant 0 : i32
    %dma_start3A_224 = tpu.memref_slice %arg8[%dma_start3A_222, %dma_start3A_223] : memref<2x4096xf32, #tpu.memory_space<vmem>> -> memref<1x4096xf32, #tpu.memory_space<vmem>>
    %dma_start3A_225 = tpu.memref_squeeze %dma_start3A_224 : memref<1x4096xf32, #tpu.memory_space<vmem>> -> memref<4096xf32, #tpu.memory_space<vmem>>
    %dma_start3A_226 = arith.constant 8192 : i32
    %dma_start3A_227 = tpu.memref_slice %arg2[%add3A_166, %dma_start3A_226] : memref<64x16384xf32, #tpu.memory_space<hbm>> -> memref<1x4096xf32, #tpu.memory_space<hbm>>
    %dma_start3A_228 = tpu.memref_squeeze %dma_start3A_227 : memref<1x4096xf32, #tpu.memory_space<hbm>> -> memref<4096xf32, #tpu.memory_space<hbm>>
    %dma_start3A_229 = arith.constant 0 : i32
    %dma_start3A_230 = tpu.memref_slice %arg8[%dma_start3A_222, %dma_start3A_229] : memref<2x4096xf32, #tpu.memory_space<vmem>> -> memref<1x4096xf32, #tpu.memory_space<vmem>>
    %dma_start3A_231 = tpu.memref_squeeze %dma_start3A_230 : memref<1x4096xf32, #tpu.memory_space<vmem>> -> memref<4096xf32, #tpu.memory_space<vmem>>
    %dma_start3A_232 = arith.constant 8192 : i32
    %dma_start3A_233 = tpu.memref_slice %arg2[%add3A_166, %dma_start3A_232] : memref<64x16384xf32, #tpu.memory_space<hbm>> -> memref<1x4096xf32, #tpu.memory_space<hbm>>
    %dma_start3A_234 = tpu.memref_squeeze %dma_start3A_233 : memref<1x4096xf32, #tpu.memory_space<hbm>> -> memref<4096xf32, #tpu.memory_space<hbm>>
    tpu.enqueue_dma source(%dma_start3A_234 : memref<4096xf32, #tpu.memory_space<hbm>>) target(%dma_start3A_231 : memref<4096xf32, #tpu.memory_space<vmem>>) target_semaphore(%arg12 : memref<!tpu.dma_semaphore, #tpu.memory_space<semaphore_mem>>)
    %dma_wait3A_235 = arith.constant 1 : i32
    %dma_wait3A_236 = arith.constant 0 : i32
    %dma_wait3A_237 = tpu.memref_slice %arg8[%dma_wait3A_235, %dma_wait3A_236] : memref<2x4096xf32, #tpu.memory_space<vmem>> -> memref<1x4096xf32, #tpu.memory_space<vmem>>
    %dma_wait3A_238 = tpu.memref_squeeze %dma_wait3A_237 : memref<1x4096xf32, #tpu.memory_space<vmem>> -> memref<4096xf32, #tpu.memory_space<vmem>>
    %dma_wait3A_239 = arith.constant 4096 : i32
    %dma_wait3A_240 = tpu.memref_slice %arg2[%add3A_166, %dma_wait3A_239] : memref<64x16384xf32, #tpu.memory_space<hbm>> -> memref<1x4096xf32, #tpu.memory_space<hbm>>
    %dma_wait3A_241 = tpu.memref_squeeze %dma_wait3A_240 : memref<1x4096xf32, #tpu.memory_space<hbm>> -> memref<4096xf32, #tpu.memory_space<hbm>>
    %dma_wait3A_242 = arith.constant 0 : i32
    %dma_wait3A_243 = tpu.memref_slice %arg8[%dma_wait3A_235, %dma_wait3A_242] : memref<2x4096xf32, #tpu.memory_space<vmem>> -> memref<1x4096xf32, #tpu.memory_space<vmem>>
    %dma_wait3A_244 = tpu.memref_squeeze %dma_wait3A_243 : memref<1x4096xf32, #tpu.memory_space<vmem>> -> memref<4096xf32, #tpu.memory_space<vmem>>
    %dma_wait3A_245 = arith.constant 4096 : i32
    %dma_wait3A_246 = tpu.memref_slice %arg2[%add3A_166, %dma_wait3A_245] : memref<64x16384xf32, #tpu.memory_space<hbm>> -> memref<1x4096xf32, #tpu.memory_space<hbm>>
    %dma_wait3A_247 = tpu.memref_squeeze %dma_wait3A_246 : memref<1x4096xf32, #tpu.memory_space<hbm>> -> memref<4096xf32, #tpu.memory_space<hbm>>
    tpu.wait_dma2 semaphore(%arg13 : memref<!tpu.dma_semaphore, #tpu.memory_space<semaphore_mem>>) src(%dma_wait3A_247 : memref<4096xf32, #tpu.memory_space<hbm>>) dst(%dma_wait3A_244 : memref<4096xf32, #tpu.memory_space<vmem>>)
    %parallel_loop3A_248 = arith.constant 0 : i32
    %parallel_loop3A_249 = arith.constant 256 : i32
    %parallel_loop3A_250 = arith.constant 1 : i32
    %parallel_loop3A_251 = scf.for %parallel_loop3A_302 = %parallel_loop3A_248 to %parallel_loop3A_249 step %parallel_loop3A_250 iter_args(%parallel_loop3A_303 = %parallel_loop3A_221) -> (vector<16xf32>)  : i32 {
      %parallel_loop3A_304 = arith.constant 16 : i32
      %parallel_loop3A_305 = arith.muli %parallel_loop3A_302, %parallel_loop3A_304 : i32
      %parallel_loop3A_306 = arith.constant 4096 : i32
      %parallel_loop3A_307 = arith.addi %parallel_loop3A_306, %parallel_loop3A_305 : i32
      %parallel_loop3A_308 = arith.index_cast %parallel_loop3A_307 : i32 to index
      %parallel_loop3A_309 = tpu.vector_load %arg7[%parallel_loop3A_308] {strides = array<i32>} : memref<16384xi32, #tpu.memory_space<vmem>>, vector<16xi32>,
      %parallel_loop3A_310 = arith.constant 16 : i32
      %parallel_loop3A_311 = arith.muli %parallel_loop3A_302, %parallel_loop3A_310 : i32
      %parallel_loop3A_312 = arith.constant 1 : i32
      %parallel_loop3A_313 = arith.index_cast %parallel_loop3A_312 : i32 to index
      %parallel_loop3A_314 = arith.index_cast %parallel_loop3A_311 : i32 to index
      %parallel_loop3A_315 = tpu.vector_load %arg8[%parallel_loop3A_313, %parallel_loop3A_314] {strides = array<i32>} : memref<2x4096xf32, #tpu.memory_space<vmem>>, vector<16xf32>,
      %parallel_loop3A_316 = tpu.vector_load_idx %arg6[%parallel_loop3A_309] : memref<100000xf32, #tpu.memory_space<vmem>>[vector<16xi32>], vector<16xf32>,
      %parallel_loop3A_317 = arith.subf %parallel_loop3A_315, %parallel_loop3A_316 : vector<16xf32>
      %parallel_loop3A_318 = arith.mulf %parallel_loop3A_317, %parallel_loop3A_317 : vector<16xf32>
      %parallel_loop3A_319 = arith.addf %parallel_loop3A_303, %parallel_loop3A_318 : vector<16xf32>
      scf.yield %parallel_loop3A_319 : vector<16xf32>
    } {sc.loop_unroll_factor = 8 : i64, sc.parallel_access}
    %dma_start3A_252 = arith.constant 1 : i32
    %dma_start3A_253 = arith.constant 0 : i32
    %dma_start3A_254 = tpu.memref_slice %arg8[%dma_start3A_252, %dma_start3A_253] : memref<2x4096xf32, #tpu.memory_space<vmem>> -> memref<1x4096xf32, #tpu.memory_space<vmem>>
    %dma_start3A_255 = tpu.memref_squeeze %dma_start3A_254 : memref<1x4096xf32, #tpu.memory_space<vmem>> -> memref<4096xf32, #tpu.memory_space<vmem>>
    %dma_start3A_256 = arith.constant 12288 : i32
    %dma_start3A_257 = tpu.memref_slice %arg2[%add3A_166, %dma_start3A_256] : memref<64x16384xf32, #tpu.memory_space<hbm>> -> memref<1x4096xf32, #tpu.memory_space<hbm>>
    %dma_start3A_258 = tpu.memref_squeeze %dma_start3A_257 : memref<1x4096xf32, #tpu.memory_space<hbm>> -> memref<4096xf32, #tpu.memory_space<hbm>>
    %dma_start3A_259 = arith.constant 0 : i32
    %dma_start3A_260 = tpu.memref_slice %arg8[%dma_start3A_252, %dma_start3A_259] : memref<2x4096xf32, #tpu.memory_space<vmem>> -> memref<1x4096xf32, #tpu.memory_space<vmem>>
    %dma_start3A_261 = tpu.memref_squeeze %dma_start3A_260 : memref<1x4096xf32, #tpu.memory_space<vmem>> -> memref<4096xf32, #tpu.memory_space<vmem>>
    %dma_start3A_262 = arith.constant 12288 : i32
    %dma_start3A_263 = tpu.memref_slice %arg2[%add3A_166, %dma_start3A_262] : memref<64x16384xf32, #tpu.memory_space<hbm>> -> memref<1x4096xf32, #tpu.memory_space<hbm>>
    %dma_start3A_264 = tpu.memref_squeeze %dma_start3A_263 : memref<1x4096xf32, #tpu.memory_space<hbm>> -> memref<4096xf32, #tpu.memory_space<hbm>>
    tpu.enqueue_dma source(%dma_start3A_264 : memref<4096xf32, #tpu.memory_space<hbm>>) target(%dma_start3A_261 : memref<4096xf32, #tpu.memory_space<vmem>>) target_semaphore(%arg13 : memref<!tpu.dma_semaphore, #tpu.memory_space<semaphore_mem>>)
    %dma_wait3A_265 = arith.constant 0 : i32
    %dma_wait3A_266 = arith.constant 0 : i32
    %dma_wait3A_267 = tpu.memref_slice %arg8[%dma_wait3A_265, %dma_wait3A_266] : memref<2x4096xf32, #tpu.memory_space<vmem>> -> memref<1x4096xf32, #tpu.memory_space<vmem>>
    %dma_wait3A_268 = tpu.memref_squeeze %dma_wait3A_267 : memref<1x4096xf32, #tpu.memory_space<vmem>> -> memref<4096xf32, #tpu.memory_space<vmem>>
    %dma_wait3A_269 = arith.constant 8192 : i32
    %dma_wait3A_270 = tpu.memref_slice %arg2[%add3A_166, %dma_wait3A_269] : memref<64x16384xf32, #tpu.memory_space<hbm>> -> memref<1x4096xf32, #tpu.memory_space<hbm>>
    %dma_wait3A_271 = tpu.memref_squeeze %dma_wait3A_270 : memref<1x4096xf32, #tpu.memory_space<hbm>> -> memref<4096xf32, #tpu.memory_space<hbm>>
    %dma_wait3A_272 = arith.constant 0 : i32
    %dma_wait3A_273 = tpu.memref_slice %arg8[%dma_wait3A_265, %dma_wait3A_272] : memref<2x4096xf32, #tpu.memory_space<vmem>> -> memref<1x4096xf32, #tpu.memory_space<vmem>>
    %dma_wait3A_274 = tpu.memref_squeeze %dma_wait3A_273 : memref<1x4096xf32, #tpu.memory_space<vmem>> -> memref<4096xf32, #tpu.memory_space<vmem>>
    %dma_wait3A_275 = arith.constant 8192 : i32
    %dma_wait3A_276 = tpu.memref_slice %arg2[%add3A_166, %dma_wait3A_275] : memref<64x16384xf32, #tpu.memory_space<hbm>> -> memref<1x4096xf32, #tpu.memory_space<hbm>>
    %dma_wait3A_277 = tpu.memref_squeeze %dma_wait3A_276 : memref<1x4096xf32, #tpu.memory_space<hbm>> -> memref<4096xf32, #tpu.memory_space<hbm>>
    tpu.wait_dma2 semaphore(%arg12 : memref<!tpu.dma_semaphore, #tpu.memory_space<semaphore_mem>>) src(%dma_wait3A_277 : memref<4096xf32, #tpu.memory_space<hbm>>) dst(%dma_wait3A_274 : memref<4096xf32, #tpu.memory_space<vmem>>)
    %parallel_loop3A_278 = arith.constant 0 : i32
    %parallel_loop3A_279 = arith.constant 256 : i32
    %parallel_loop3A_280 = arith.constant 1 : i32
    %parallel_loop3A_281 = scf.for %parallel_loop3A_302 = %parallel_loop3A_278 to %parallel_loop3A_279 step %parallel_loop3A_280 iter_args(%parallel_loop3A_303 = %parallel_loop3A_251) -> (vector<16xf32>)  : i32 {
      %parallel_loop3A_304 = arith.constant 16 : i32
      %parallel_loop3A_305 = arith.muli %parallel_loop3A_302, %parallel_loop3A_304 : i32
      %parallel_loop3A_306 = arith.constant 8192 : i32
      %parallel_loop3A_307 = arith.addi %parallel_loop3A_306, %parallel_loop3A_305 : i32
      %parallel_loop3A_308 = arith.index_cast %parallel_loop3A_307 : i32 to index
      %parallel_loop3A_309 = tpu.vector_load %arg7[%parallel_loop3A_308] {strides = array<i32>} : memref<16384xi32, #tpu.memory_space<vmem>>, vector<16xi32>,
      %parallel_loop3A_310 = arith.constant 16 : i32
      %parallel_loop3A_311 = arith.muli %parallel_loop3A_302, %parallel_loop3A_310 : i32
      %parallel_loop3A_312 = arith.constant 0 : i32
      %parallel_loop3A_313 = arith.index_cast %parallel_loop3A_312 : i32 to index
      %parallel_loop3A_314 = arith.index_cast %parallel_loop3A_311 : i32 to index
      %parallel_loop3A_315 = tpu.vector_load %arg8[%parallel_loop3A_313, %parallel_loop3A_314] {strides = array<i32>} : memref<2x4096xf32, #tpu.memory_space<vmem>>, vector<16xf32>,
      %parallel_loop3A_316 = tpu.vector_load_idx %arg6[%parallel_loop3A_309] : memref<100000xf32, #tpu.memory_space<vmem>>[vector<16xi32>], vector<16xf32>,
      %parallel_loop3A_317 = arith.subf %parallel_loop3A_315, %parallel_loop3A_316 : vector<16xf32>
      %parallel_loop3A_318 = arith.mulf %parallel_loop3A_317, %parallel_loop3A_317 : vector<16xf32>
      %parallel_loop3A_319 = arith.addf %parallel_loop3A_303, %parallel_loop3A_318 : vector<16xf32>
      scf.yield %parallel_loop3A_319 : vector<16xf32>
    } {sc.loop_unroll_factor = 8 : i64, sc.parallel_access}
    %dma_wait3A_282 = arith.constant 1 : i32
    %dma_wait3A_283 = arith.constant 0 : i32
    %dma_wait3A_284 = tpu.memref_slice %arg8[%dma_wait3A_282, %dma_wait3A_283] : memref<2x4096xf32, #tpu.memory_space<vmem>> -> memref<1x4096xf32, #tpu.memory_space<vmem>>
    %dma_wait3A_285 = tpu.memref_squeeze %dma_wait3A_284 : memref<1x4096xf32, #tpu.memory_space<vmem>> -> memref<4096xf32, #tpu.memory_space<vmem>>
    %dma_wait3A_286 = arith.constant 12288 : i32
    %dma_wait3A_287 = tpu.memref_slice %arg2[%add3A_166, %dma_wait3A_286] : memref<64x16384xf32, #tpu.memory_space<hbm>> -> memref<1x4096xf32, #tpu.memory_space<hbm>>
    %dma_wait3A_288 = tpu.memref_squeeze %dma_wait3A_287 : memref<1x4096xf32, #tpu.memory_space<hbm>> -> memref<4096xf32, #tpu.memory_space<hbm>>
    %dma_wait3A_289 = arith.constant 0 : i32
    %dma_wait3A_290 = tpu.memref_slice %arg8[%dma_wait3A_282, %dma_wait3A_289] : memref<2x4096xf32, #tpu.memory_space<vmem>> -> memref<1x4096xf32, #tpu.memory_space<vmem>>
    %dma_wait3A_291 = tpu.memref_squeeze %dma_wait3A_290 : memref<1x4096xf32, #tpu.memory_space<vmem>> -> memref<4096xf32, #tpu.memory_space<vmem>>
    %dma_wait3A_292 = arith.constant 12288 : i32
    %dma_wait3A_293 = tpu.memref_slice %arg2[%add3A_166, %dma_wait3A_292] : memref<64x16384xf32, #tpu.memory_space<hbm>> -> memref<1x4096xf32, #tpu.memory_space<hbm>>
    %dma_wait3A_294 = tpu.memref_squeeze %dma_wait3A_293 : memref<1x4096xf32, #tpu.memory_space<hbm>> -> memref<4096xf32, #tpu.memory_space<hbm>>
    tpu.wait_dma2 semaphore(%arg13 : memref<!tpu.dma_semaphore, #tpu.memory_space<semaphore_mem>>) src(%dma_wait3A_294 : memref<4096xf32, #tpu.memory_space<hbm>>) dst(%dma_wait3A_291 : memref<4096xf32, #tpu.memory_space<vmem>>)
    %parallel_loop3A_295 = arith.constant 0 : i32
    %parallel_loop3A_296 = arith.constant 256 : i32
    %parallel_loop3A_297 = arith.constant 1 : i32
    %parallel_loop3A_298 = scf.for %parallel_loop3A_302 = %parallel_loop3A_295 to %parallel_loop3A_296 step %parallel_loop3A_297 iter_args(%parallel_loop3A_303 = %parallel_loop3A_281) -> (vector<16xf32>)  : i32 {
      %parallel_loop3A_304 = arith.constant 16 : i32
      %parallel_loop3A_305 = arith.muli %parallel_loop3A_302, %parallel_loop3A_304 : i32
      %parallel_loop3A_306 = arith.constant 12288 : i32
      %parallel_loop3A_307 = arith.addi %parallel_loop3A_306, %parallel_loop3A_305 : i32
      %parallel_loop3A_308 = arith.index_cast %parallel_loop3A_307 : i32 to index
      %parallel_loop3A_309 = tpu.vector_load %arg7[%parallel_loop3A_308] {strides = array<i32>} : memref<16384xi32, #tpu.memory_space<vmem>>, vector<16xi32>,
      %parallel_loop3A_310 = arith.constant 16 : i32
      %parallel_loop3A_311 = arith.muli %parallel_loop3A_302, %parallel_loop3A_310 : i32
      %parallel_loop3A_312 = arith.constant 1 : i32
      %parallel_loop3A_313 = arith.index_cast %parallel_loop3A_312 : i32 to index
      %parallel_loop3A_314 = arith.index_cast %parallel_loop3A_311 : i32 to index
      %parallel_loop3A_315 = tpu.vector_load %arg8[%parallel_loop3A_313, %parallel_loop3A_314] {strides = array<i32>} : memref<2x4096xf32, #tpu.memory_space<vmem>>, vector<16xf32>,
      %parallel_loop3A_316 = tpu.vector_load_idx %arg6[%parallel_loop3A_309] : memref<100000xf32, #tpu.memory_space<vmem>>[vector<16xi32>], vector<16xf32>,
      %parallel_loop3A_317 = arith.subf %parallel_loop3A_315, %parallel_loop3A_316 : vector<16xf32>
      %parallel_loop3A_318 = arith.mulf %parallel_loop3A_317, %parallel_loop3A_317 : vector<16xf32>
      %parallel_loop3A_319 = arith.addf %parallel_loop3A_303, %parallel_loop3A_318 : vector<16xf32>
      scf.yield %parallel_loop3A_319 : vector<16xf32>
    } {sc.loop_unroll_factor = 8 : i64, sc.parallel_access}
    %swap3A = arith.constant 0 : index
    %swap3A_299 = tpu.vector_load %arg9[%swap3A] {strides = array<i32>} : memref<16xf32, #tpu.memory_space<vmem>>, vector<16xf32>,
    tpu.vector_store %arg9[%swap3A], %parallel_loop3A_298 {strides = array<i32>} : memref<16xf32, #tpu.memory_space<vmem>>, vector<16xf32>,
    %mul3A_300 = arith.constant 16 : i32
    %mul3A_301 = arith.muli %add3A, %mul3A_300 : i32
    "tpu.region"() ({
      %run_scoped3A = tpu.sem_alloc : memref<!tpu.dma_semaphore, #tpu.memory_space<semaphore_mem>>
      %dma_start3A_302 = tpu.memref_slice %arg5[%mul3A_301] : memref<512xf32, #tpu.memory_space<hbm>> -> memref<16xf32, #tpu.memory_space<hbm>>
      %dma_start3A_303 = tpu.memref_slice %arg5[%mul3A_301] : memref<512xf32, #tpu.memory_space<hbm>> -> memref<16xf32, #tpu.memory_space<hbm>>
      tpu.enqueue_dma source(%arg9 : memref<16xf32, #tpu.memory_space<vmem>>) target(%dma_start3A_303 : memref<16xf32, #tpu.memory_space<hbm>>) target_semaphore(%run_scoped3A : memref<!tpu.dma_semaphore, #tpu.memory_space<semaphore_mem>>)
      %dma_wait3A_304 = tpu.memref_slice %arg5[%mul3A_301] : memref<512xf32, #tpu.memory_space<hbm>> -> memref<16xf32, #tpu.memory_space<hbm>>
      %dma_wait3A_305 = tpu.memref_slice %arg5[%mul3A_301] : memref<512xf32, #tpu.memory_space<hbm>> -> memref<16xf32, #tpu.memory_space<hbm>>
      tpu.wait_dma2 semaphore(%run_scoped3A : memref<!tpu.dma_semaphore, #tpu.memory_space<semaphore_mem>>) src(%arg9 : memref<16xf32, #tpu.memory_space<vmem>>) dst(%dma_wait3A_305 : memref<16xf32, #tpu.memory_space<hbm>>)
      tpu.yield
    }) : () -> ()
    return
  }
}

</mosaic_0001>

<sc_bundles>
// kernel: kernel.3.cloned.1.call-start
scs
__scs_entry_jumppad:
0x0: {  	(pc) =	sbr.rel $0x88, $3  }
0x1: {  	(tag) =	ssettag $0x0;
	lr =	simm.s32 $0x1  }
0x2: {  	[smem:$0x3F9E] =	sst lr;
	_ =	strace $0xD0000000  }
0x3: {  	_ = 	snop  }
0x4: {  	_ = 	snop  }
0x5: {  	_ = 	snop  }
0x6: {  	_ = 	snop  }
0x7: {  	_ = 	snop  }
__scs_overlays_trampoline_lowered:
0x8: {  	[smem:$0x3FAD] =	sst s0  }
0x9: {  	[smem:$0x3FAE] =	sst s1  }
0xa: {  	[smem:$0x3FAF] =	sst s2  }
0xb: {  	[smem:$0x3FB0] =	sst s3  }
0xc: {  	[smem:$0x3FB1] =	sst s4  }
0xd: {  	[smem:$0x3FB2] =	sst s5  }
0xe: {  	[smem:$0x3FB3] =	sst s6  }
0xf: {  	[smem:$0x3FB4] =	sst s7  }
0x10: {  	[smem:$0x3FB5] =	sst s8  }
0x11: {  	[smem:$0x3FB6] =	sst s9;
	s0 =	simm.s32 @!p0 $0x0  }
0x12: {  	s1 =	sld [smem:$0x3F9C];
	s0 =	simm.s32 @p0 $0x1  }
0x13: {  	[smem:$0x3FB7] =	sst s0;
	s0 =	simm.s32 @!p1 $0x0  }
0x14: {  	s2 =	sld [smem:$0x3F9B];
	s0 =	simm.s32 @p1 $0x1  }
0x15: {  	[smem:$0x3FB8] =	sst s0;
	s0 =	simm.s32 @!p2 $0x0  }
0x16: {  	s3 =	sld [smem:$0x3FDB];
	s0 =	simm.s32 @p2 $0x1  }
0x17: {  	s4 =	simm.s32 $0x1BF5;
	[smem:$0x3FBA] =	sst s0  }
0x18: {  	s0 =	sld [smem:$0x3F9D];
	_ =	swait.ge [sflag:s4], $0x0  }
0x19: {  	s7 =	sld [smem:$0x3F9E]  }
0x1a: {  	s8 =	sadd.s32 $0xFFFFE003, lr  }
0x1b: {  	s9 =	sadd.s32 $0xFFFFFEF7, lr;
	s5 =	simm.s32 $0xFFFFFFFF;
	p2 =	slt.u32 s8, $0xFFFFF086  }
0x1c: {  	p1 =	slt.u32 s9, $0xF7A;
	s5 =	simm.s32 @!p2 $0x0  }
0x1d: {  	s5 =	simm.s32 @p1 $0x1;
	p0 =	seq.s32 s7, s2  }
0x1e: {  	s7 =	smul.u32 @!p0 $0xF7A, s2;
	p2 =	seq.s32 @!p0 s5, $0x0  }
0x1f: {  	s9 =	smul.u32 $0xF7A, s1;
	s8 =	simm.s32 @!p0 $0x1BF5;
	p2 =	por !p2, p0  }
0x20: {  	[sflag:s8] =	ssyncset.s32 @!p0 $0xFFFFF086;
	s6 =	sadd.s32 @!p0 s3, s7;
	s7 =	simm.s32 @!p0 $0x108  }
0x21: {  	s3 =	sadd.s32 s3, s9;
	s6 =	sadd.s32 @!p0 $0x88, s6;
	s7 =	simm.s32 @p2 $0x1082  }
0x22: {  	[simem:s7], [sflag:s8] =	dma.local @!p0 [hbm:s6], $0xF7A  }
0x23: {  	s9 =	sor.u32 $0xD0000000, s2;
	s6 =	simm.s32 $0x108;
	_ =	swait.ge @!p0 [sflag:s8], $0x0  }
0x24: {  	s3 =	sadd.s32 $0x88, s3;
	s6 =	simm.s32 @!p1 $0x1082;
	[sflag:s4] =	ssyncset.s32 $0xFFFFF086  }
0x25: {  	[simem:s6], [sflag:s4] =	dma.local [hbm:s3], $0xF7A  }
0x26: {  	[smem:$0x3F9E] =	sst s1;
	(tag) =	ssettag s2;
	_ =	strace s9  }
0x27: {  	s1 =	sld [smem:$0x3FAE]  }
0x28: {  	s2 =	sld [smem:$0x3FAF]  }
0x29: {  	s4 =	sld [smem:$0x3FB1]  }
0x2a: {  	p0 =	seq.s32 s5, $0x0;
	s5 =	sld [smem:$0x3FB2]  }
0x2b: {  	s6 =	sld [smem:$0x3FB3]  }
0x2c: {  	s7 =	sld [smem:$0x3FB4]  }
0x2d: {  	s3 =	simm.s32 $0x108;
	s8 =	sld [smem:$0x3FB5]  }
0x2e: {  	s3 =	simm.s32 @!p0 $0x1082;
	s9 =	sld [smem:$0x3FB6]  }
0x2f: {  	lr =	sadd.s32 s0, s3;
	s0 =	sld [smem:$0x3FAD]  }
0x30: {  	s3 =	sld [smem:$0x3FB0]  }
0x31: {  	[smem:$0x3FB9] =	sst s10  }
0x32: {  	s10 =	sld [smem:$0x3FB7];
	_ =	sdelay $0x3  }
0x33: {  	p0 =	seq.s32 s10, $0x1;
	s10 =	sld [smem:$0x3FB9];
	_ =	sdelay $0x3  }
0x34: {  	[smem:$0x3FB9] =	sst s10  }
0x35: {  	s10 =	sld [smem:$0x3FB8];
	_ =	sdelay $0x3  }
0x36: {  	p1 =	seq.s32 s10, $0x1;
	s10 =	sld [smem:$0x3FB9];
	_ =	sdelay $0x3  }
0x37: {  	[smem:$0x3FB9] =	sst s10  }
0x38: {  	s10 =	sld [smem:$0x3FBA]  }
0x39: {  	_ = 	snop;
	(pc) =	sbr.ind lr, $3  }
0x3a: {  	_ = 	snop  }
0x3b: {  	_ = 	snop  }
0x3c: {  	p2 =	seq.s32 s10, $0x1;
	s10 =	sld [smem:$0x3FB9]  }
0x3d: {  	_ =	shalt  }
0x3e: {  	_ =	shalt  }
0x3f: {  	_ =	shalt  }
0x40: {  	_ =	shalt  }
0x41: {  	_ =	shalt  }
0x42: {  	_ =	shalt  }
0x43: {  	_ =	shalt  }
0x44: {  	_ =	shalt  }
0x45: {  	_ =	shalt  }
0x46: {  	_ =	shalt  }
0x47: {  	_ =	shalt  }
0x48: {  	_ =	shalt  }
0x49: {  	_ =	shalt  }
0x4a: {  	_ =	shalt  }
0x4b: {  	_ =	shalt  }
0x4c: {  	_ =	shalt  }
0x4d: {  	_ =	shalt  }
0x4e: {  	_ =	shalt  }
0x4f: {  	_ =	shalt  }
0x50: {  	_ =	shalt  }
0x51: {  	_ =	shalt  }
0x52: {  	_ =	shalt  }
0x53: {  	_ =	shalt  }
0x54: {  	_ =	shalt  }
0x55: {  	_ =	shalt  }
0x56: {  	_ =	shalt  }
0x57: {  	_ =	shalt  }
0x58: {  	_ =	shalt  }
0x59: {  	_ =	shalt  }
0x5a: {  	_ =	shalt  }
0x5b: {  	_ =	shalt  }
0x5c: {  	_ =	shalt  }
0x5d: {  	_ =	shalt  }
0x5e: {  	_ =	shalt  }
0x5f: {  	_ =	shalt  }
0x60: {  	_ =	shalt  }
0x61: {  	_ =	shalt  }
0x62: {  	_ =	shalt  }
0x63: {  	_ =	shalt  }
0x64: {  	_ =	shalt  }
0x65: {  	_ =	shalt  }
0x66: {  	_ =	shalt  }
0x67: {  	_ =	shalt  }
0x68: {  	_ =	shalt  }
0x69: {  	_ =	shalt  }
0x6a: {  	_ =	shalt  }
0x6b: {  	_ =	shalt  }
0x6c: {  	_ =	shalt  }
0x6d: {  	_ =	shalt  }
0x6e: {  	_ =	shalt  }
0x6f: {  	_ =	shalt  }
0x70: {  	_ =	shalt  }
0x71: {  	_ =	shalt  }
0x72: {  	_ =	shalt  }
0x73: {  	_ =	shalt  }
0x74: {  	_ =	shalt  }
0x75: {  	_ =	shalt  }
0x76: {  	_ =	shalt  }
0x77: {  	_ =	shalt  }
0x78: {  	_ =	shalt  }
0x79: {  	_ =	shalt  }
0x7a: {  	_ =	shalt  }
0x7b: {  	_ =	shalt  }
0x7c: {  	_ =	shalt  }
0x7d: {  	_ =	shalt  }
0x7e: {  	_ =	shalt  }
0x7f: {  	_ =	shalt  }
0x80: {  	_ =	shalt  }
0x81: {  	_ =	shalt  }
0x82: {  	_ =	shalt  }
0x83: {  	_ =	shalt  }
0x84: {  	_ =	shalt  }
0x85: {  	_ =	shalt  }
0x86: {  	_ =	shalt  }
0x87: {  	_ =	shalt  }
.Lfunc_end0:
.L_simem_size_0:
called_computation_lowered:
.L_overlay_start_0:
0x88: {  	s2 =	sld [smem:$0x3FD9]  }
0x89: {  	s3 =	sld [smem:$0x3FFE];
	_ =	sdelay $0x1  }
0x8a: {  	s1 =	srdreg.scid  }
0x8b: {  	s0 =	sand.u32 $0x1, s1  }
0x8c: {  	s17 =	sshll.u32 s0, $0xA;
	s2 =	sadd.s32 s3, s2  }
0x8d: {  	s2 =	sadd.s32 s2, s17  }
0x8e: {  	[smem:$0x3FC5] =	sst s2  }
0x8f: {  	_ = 	snop  }
0x90: {  	s2 =	sld [smem:$0x3FC9]  }
0x91: {  	s18 =	sld [smem:$0x3FC8]  }
0x92: {  	s4 =	sld [smem:$0x3FC7];
	(tm) =	ssettm $0x1  }
0x93: {  	s5 =	sld [smem:$0x3FFB];
	_ =	sdelay $0x3  }
0x94: {  	_ =	strace s5  }
0x95: {  	s5 =	sld [smem:$0x3FFC];
	_ =	sdelay $0x3  }
0x96: {  	_ =	strace s5  }
0x97: {  	s5 =	sld [smem:$0x3FFD];
	_ =	sdelay $0x3  }
0x98: {  	_ =	strace s5  }
0x99: {  	_ =	strace $0x8FFFFFFF  }
0x9a: {  	s19 =	sld [smem:$0x3FDB];
	_ =	sdelay $0x1  }
0x9b: {  	s6 =	simm.s32 $_scs_section_size  }
0x9c: {  	s7 =	simm.s32 $_size__tile_overlayer_lowered;
	s8 =	simm.s32 $_tile_overlayer_lowered  }
0x9d: {  	s22 =	simm.s32 $0x1BFF;
	s21 =	sshll.u32 s8, $0x1;
	s5 =	sadd.s32 s6, s19  }
0x9e: {  	s9 =	simm.s32 $0x0;
	s20 =	sshll.u32 s7, $0x1;
	s7 =	sadd.s32 s21, s5  }
0x9f: {  	[timem:s9], [sflag:s22] =	dma.local [hbm:s7], s20  }
0xa0: {  	_ =	swait.ge [sflag:s22], s20  }
0xa1: {  	s6 =	ssub.s32 $0x0, s20;
	[sflag:s22] =	ssyncset.done $0x0  }
0xa2: {  	[sflag:s22] =	ssyncadd.s32 s6;
	_ =	sdelay $0x1  }
0xa3: {  	s23 =	simm.s32 $0x1B8B  }
0xa4: {  	_ =	swait.ge [sflag:s23], $0x1  }
0xa5: {  	[sflag:s23] =	ssyncset.done $0x0  }
0xa6: {  	s25 =	simm.s32 $0x1B8E;
	s24 =	sld [smem:$0x3FFE];
	[sflag:s23] =	ssyncadd.s32 $0xFFFFFFFF  }
0xa7: {  	s26 =	simm.s32 $execute0_lowered;
	[smem:$0x3FD2] =	sst s25  }
0xa8: {  	s7 =	sshll.u32 s26, $0x1;
	_ =	strace $0x80000046;
	[dreg:$0x1] =	wrdreg $0xFFFFFFFF  }
0xa9: {  	s28 =	simm.s32 $_size_execute0_lowered;
	s5 =	sadd.s32 s5, s7;
	[dreg:$0x0] =	wrdreg $0x0  }
0xaa: {  	s7 =	sshll.u32 s28, $0x1;
	[dreg:$0x2] =	wrdreg s5  }
0xab: {  	[dreg:$0x3] =	wrdreg s7  }
0xac: {  	[dreg:$0x4] =	wrdreg $0xC0  }
0xad: {  	_ =	task [dreg:s9], $0x5FFFF  }
0xae: {  	[dreg:$0x1] =	wrdreg $0xFFFFFFFF  }
0xaf: {  	[dreg:$0x0] =	wrdreg $0x60  }
0xb0: {  	[dreg:$0x2] =	wrdreg s2  }
0xb1: {  	[dreg:$0x3] =	wrdreg s18  }
0xb2: {  	[dreg:$0x4] =	wrdreg s4  }
0xb3: {  	[dreg:$0x5] =	wrdreg s24  }
0xb4: {  	[dreg:$0x6] =	wrdreg $0x9  }
0xb5: {  	_ =	task.clear_ibuf [dreg:s9], $0x7FFFF;
	_ =	strace $0x90000046  }
0xb6: {  	s29 =	simm.s32 $0x9;
	_ =	strace $0x80000048  }
0xb7: {  	_ =	swait.ge [sflag:s29], $0x1  }
0xb8: {  	[sflag:s29] =	ssyncadd.s32 $0xFFFFFFFF  }
0xb9: {  	_ =	strace $0x90000048  }
0xba: {  	_ =	sfence  }
0xbb: {  	s30 =	sld [smem:$0x0];
	_ =	sdelay $0x2  }
0xbc: {  	s31 =	sshll.u32 s1, $0xD;
	s1 =	sshrl.u32 s1, $0x2  }
0xbd: {  	s3 =	sand.u32 $0x4000, s31;
	s1 =	sadd.s32 s1, s30  }
0xbe: {  	s0 =	sor.u32 s3, s0;
	s1 =	sshll.u32 s1, $0x11  }
0xbf: {  	s0 =	sor.u32 s1, s0  }
0xc0: {  	s0 =	sadd.s32 $0x8F2B, s0  }
0xc1: {  	[sflag:s0] =	ssyncadd.remote.s32 $0x1  }
0xc2: {  	_ =	sfence.sel $0xFFFF  }
0xc3: {  	[dreg:$0x0] =	wrdreg $0xFFFFFFFF;
	(pc) =	sbr.abs _section_cstart, $3  }
0xc4: {  	[dreg:$0x1] =	wrdreg $0xFFFFFFFF  }
0xc5: {  	_ =	task.clear_ibuf [dreg:s9], $0x2FFFF;
	_ =	strace $0x9FFFFFFF  }
0xc6: {  	(tm) =	ssettm $0x7FFFFFFF  }
0xc7: {  	_ =	shalt  }
tec
execute0_lowered:
.L_overlay_start_1:
0x0: {  	(tag) =	ssettag $0x1  }
0x1: {  	s0 =	rddreg [dreg:$0x0]  }
0x2: {  	s2 =	rddreg [dreg:$0x1]  }
0x3: {  	s10 =	rddreg [dreg:$0x2]  }
0x4: {  	s15 =	rddreg [dreg:$0x3];
	s3 =	srdreg.scid  }
0x5: {  	s1 =	stileid.u32;
	s20 =	simm.s32 $0x19700;
	s21 =	simm.s32 $0x2  }
0x6: {  	s22 =	simm.s32 $0x1;
	s23 =	simm.s32 $0x3;
	s28 =	simm.s32 $0x0  }
0x7: {  	s4 =	sand.u32 $0x1, s3;
	s5 =	sshll.u32 s1, $0x1;
	s3 =	simm.s32 $0x0  }
0x8: {  	s24 =	sshrl.u32 s1, $0x2;
	s14 =	sadd.s32 $0x1000, s0;
	s18 =	sadd.s32 $0x2000, s0  }
0x9: {  	s19 =	sadd.s32 $0x3000, s0;
	s13 =	sor.u32 s4, s5;
	[smem:$0x7FF] =	sst s3  }
0xa: {  	s7 =	smul.u32 $0xC3800, s24;
	s4 =	ssub.s32 $0x2, s4;
	s8 =	sshll.u32 s24, $0x11  }
0xb: {  	s12 =	sor.u32 $0x4, s24;
	s24 =	simm.s32 $0x4;
	s6 =	sshll.u32 s13, $0x7  }
0xc: {  	_ =	strace $0x80000047;
	s25 =	sshrl.u32 s4, $0x1;
	s17 =	smul.u32 $0xC3800, s12  }
0xd: {  	s12 =	sshll.u32 s12, $0x11;
	s31 =	sshll.u32 s13, $0x1;
	s9 =	sand.u32 $0x380, s6  }
0xe: {  	s16 =	ssub.s32 s4, s25;
	s6 =	sadd.s32 $0x200, s2;
	s15 =	sadd.s32 s15, s31  }
0xf: {  	s25 =	simm.s32 $0x1E700;
	s7 =	sor.u32 s7, s9;
	s29 =	sor.u32 s8, s9  }
0x10: {  	s17 =	sor.u32 s17, s9;
	s12 =	sor.u32 s12, s9;
	s16 =	smax.u32 s16, $0x1  }
0x11: {  	s26 =	sshrl.u32 s7, $0x3;
	s11 =	sshrl.u32 s29, $0x3;
	s17 =	sshrl.u32 s17, $0x3  }
0x12: {  	s30 =	sshrl.u32 s12, $0x3;
	s4 =	sadd.s32 s10, s26;
	s5 =	sadd.s32 s0, s11  }
0x13: {  	s7 =	sadd.s32 s11, s14;
	s8 =	sadd.s32 s11, s18;
	s9 =	sadd.s32 s11, s19  }
0x14: {  	s10 =	sadd.s32 s10, s17;
	s11 =	sadd.s32 s0, s30;
	s12 =	sadd.s32 s30, s14  }
0x15: {  	s13 =	sadd.s32 s30, s18;
	s14 =	sadd.s32 s30, s19;
	s17 =	simm.s32 $0x18700  }
0x16: {  	s18 =	simm.s32 $0x80;
	s19 =	simm.s32 $0x400;
	s26 =	simm.s32 $0x5  }
.LBB2_1:
0x17: {  	[tilespmem:s17], [sflag:$0x1] =	stream.linear.gather [hbm4b:s2+s3], $0x1000, $0x38;
	[tilespmem:$0x1E780] =	vst v63  }
0x18: {  	s29 =	simm.s32 $0x1C700  }
0x19: {  	s30 =	simm.s32 $0x80;
	s0 =	sadd.s32 $0x0, s5;
	s31 =	simm.s32 $0x1C800  }
0x1a: {  	[tilespmem:s3], [sflag:$0x2] =	stream.strided.gather [hbm4b:s4+s18], $0x18700, s19, s18, $0x38;
	[tilespmem:$0x1E780] =	vst v63  }
.LBB2_2:
0x1b: {  	[tilespmem:s29], [sflag:$0x3] =	stream.linear.gather [hbm4b:s0+s3], $0x80, $0x38;
	[tilespmem:$0x1E780] =	vst v63  }
0x1c: {  	s0 =	smov.u32 s30;
	s29 =	smov.u32 s31;
	p0 =	sne.s32 s30, $0xF80  }
.Ltmp0:
0x1d: {  	s30 =	sadd.s32 $0x80, s30;
	(pc) =	sbr.rel @p0 .LBB2_2-.Ltmp0, $2  }
0x1e: {  	_ =	sdelay $0x2  }
0x1f: {  	s31 =	sadd.s32 $0x100, s31;
	s0 =	sadd.s32 s0, s5  }
0x20: {  	[tilespmem:s29], [sflag:$0x3] =	stream.linear.gather [hbm4b:s0+s3], $0x80, $0x38;
	[tilespmem:$0x1E780] =	vst v63  }
0x21: {  	s0 =	simm.s32 $0x0  }
0x22: {  	[tilespmem:s20], [sflag:$0x1] =	stream.linear.gather [hbm4b:s6+s0], $0x3000, $0x38;
	[tilespmem:$0x1E780] =	vst v63  }
0x23: {  	_ =	swait.ge [sflag:s21], $0x18700  }
0x24: {  	[sflag:s21] =	ssyncset.done $0x0  }
0x25: {  	[sflag:s21] =	ssyncadd.s32 $0xFFFE7900  }
0x26: {  	_ =	swait.ge [sflag:s22], $0x1000  }
0x27: {  	s29 =	simm.s32 $0x1C780;
	s30 =	simm.s32 $0x80;
	[sflag:s22] =	ssyncset.done $0x0  }
0x28: {  	s31 =	simm.s32 $0x1C880;
	s0 =	sadd.s32 $0x0, s7;
	[sflag:s22] =	ssyncadd.s32 $0xFFFFF000  }
.LBB2_4:
0x29: {  	[tilespmem:s29], [sflag:$0x4] =	stream.linear.gather [hbm4b:s0+s3], $0x80, $0x38;
	[tilespmem:$0x1E780] =	vst v63  }
0x2a: {  	s0 =	smov.u32 s30;
	s29 =	smov.u32 s31;
	p0 =	sne.s32 s30, $0xF80  }
.Ltmp1:
0x2b: {  	s30 =	sadd.s32 $0x80, s30;
	(pc) =	sbr.rel @p0 .LBB2_4-.Ltmp1, $2  }
0x2c: {  	_ =	sdelay $0x2  }
0x2d: {  	s31 =	sadd.s32 $0x100, s31;
	s0 =	sadd.s32 s0, s7  }
0x2e: {  	[tilespmem:s29], [sflag:$0x4] =	stream.linear.gather [hbm4b:s0+s3], $0x80, $0x38;
	[tilespmem:$0x1E780] =	vst v63  }
0x2f: {  	_ =	swait.ge [sflag:s23], $0x1000  }
0x30: {  	[sflag:s23] =	ssyncset.done $0x0  }
0x31: {  	s0 =	simm.s32 $0x18740;
	[sflag:s23] =	ssyncadd.s32 $0xFFFFF000  }
0x32: {  	v0 =	vld [tilespmem:s0+$0xFFFFFFC0]  }
0x33: {  	v2 =	vld [tilespmem:s0+$0x30]  }
0x34: {  	v1 =	vld [tilespmem:s0+$0xFFFFFFD0]  }
0x35: {  	v4 =	vld [tilespmem:s0+$0x20]  }
0x36: {  	v3 =	vld [tilespmem:s0+$0xFFFFFFE0]  }
0x37: {  	v5 =	vld [tilespmem:s0+$0x10]  }
0x38: {  	v6 =	vld [tilespmem:s0+$0xFFFFFFF0]  }
0x39: {  	s29 =	simm.s32 $0x1C740;
	v7 =	vld [tilespmem:s0+$0x0]  }
0x3a: {  	v8 =	vld [tilespmem:s29+$0xFFFFFFC0]  }
0x3b: {  	v0 =	vld.idx.msk [tilespmem:v0+s3+$0x0], $0xffff  }
0x3c: {  	v9 =	vld [tilespmem:s29+$0xFFFFFFD0]  }
0x3d: {  	v1 =	vld.idx.msk [tilespmem:v1+s3+$0x0], $0xffff  }
0x3e: {  	v10 =	vld [tilespmem:s29+$0xFFFFFFE0]  }
0x3f: {  	v3 =	vld.idx.msk [tilespmem:v3+s3+$0x0], $0xffff  }
0x40: {  	v6 =	vld.idx.msk [tilespmem:v6+s3+$0x0], $0xffff;
	v0 =	vsub.f32 v8, v0  }
0x41: {  	v8 =	vld [tilespmem:s29+$0xFFFFFFF0]  }
0x42: {  	v11 =	vld.idx.msk [tilespmem:v7+s3+$0x0], $0xffff;
	v1 =	vsub.f32 v9, v1;
	v7 =	vmul.f32 v0, v0  }
0x43: {  	v12 =	vimm.f32 $0.0e+00;
	v9 =	vld [tilespmem:s29+$0x0]  }
0x44: {  	v10 =	vsub.f32 v10, v3;
	v0 =	vld.idx.msk [tilespmem:v5+s3+$0x0], $0xffff;
	v5 =	vadd.f32 v7, v12;
	v7 =	vmul.f32 v1, v1  }
0x45: {  	v3 =	vld [tilespmem:s29+$0x10]  }
0x46: {  	v1 =	vld.idx.msk [tilespmem:v4+s3+$0x0], $0xffff;
	v8 =	vsub.f32 v8, v6;
	v5 =	vadd.f32 v7, v5;
	v7 =	vmul.f32 v10, v10  }
0x47: {  	v4 =	vld [tilespmem:s29+$0x20]  }
0x48: {  	v2 =	vld.idx.msk [tilespmem:v2+s3+$0x0], $0xffff;
	v6 =	vadd.f32 v7, v5;
	v7 =	vmul.f32 v8, v8;
	v8 =	vsub.f32 v9, v11  }
0x49: {  	s30 =	simm.s32 $0x0;
	s31 =	simm.s32 $0x187C0;
	v5 =	vld [tilespmem:s29+$0x30]  }
.LBB2_6:
0x4a: {  	v9 =	vld [tilespmem:s31+$0xFFFFFFC0];
	s30 =	sadd.s32 $0x8, s30;
	v6 =	vadd.f32 v7, v6;
	v7 =	vmul.f32 v8, v8;
	v0 =	vsub.f32 v3, v0  }
0x4b: {  	v10 =	vld [tilespmem:s31+$0x30];
	p0 =	slt.u32 s30, $0xF8  }
0x4c: {  	v3 =	vld [tilespmem:s31+$0xFFFFFFD0];
	v6 =	vadd.f32 v7, v6;
	v0 =	vmul.f32 v0, v0;
	v1 =	vsub.f32 v4, v1  }
0x4d: {  	v4 =	vld [tilespmem:s31+$0x20]  }
0x4e: {  	v7 =	vld [tilespmem:s31+$0xFFFFFFE0];
	v0 =	vadd.f32 v0, v6;
	v1 =	vmul.f32 v1, v1;
	v2 =	vsub.f32 v5, v2  }
0x4f: {  	v5 =	vld [tilespmem:s31+$0x10]  }
0x50: {  	v6 =	vld [tilespmem:s31+$0xFFFFFFF0];
	v0 =	vadd.f32 v1, v0;
	v1 =	vmul.f32 v2, v2  }
0x51: {  	v2 =	vld [tilespmem:s31+$0x0]  }
0x52: {  	s29 =	sadd.s32 $0x100, s29;
	v8 =	vld.idx.msk [tilespmem:v9+s3+$0x0], $0xffff;
	v0 =	vadd.f32 v1, v0  }
0x53: {  	v1 =	vld [tilespmem:s29+$0xFFFFFFC0]  }
0x54: {  	v3 =	vld.idx.msk [tilespmem:v3+s3+$0x0], $0xffff  }
0x55: {  	v9 =	vld [tilespmem:s29+$0xFFFFFFD0]  }
0x56: {  	v7 =	vld.idx.msk [tilespmem:v7+s3+$0x0], $0xffff  }
0x57: {  	v11 =	vld [tilespmem:s29+$0xFFFFFFE0]  }
0x58: {  	v1 =	vsub.f32 v1, v8;
	v6 =	vld.idx.msk [tilespmem:v6+s3+$0x0], $0xffff  }
0x59: {  	v8 =	vld [tilespmem:s29+$0xFFFFFFF0]  }
0x5a: {  	v1 =	vmul.f32 v1, v1;
	v3 =	vsub.f32 v9, v3;
	v2 =	vld.idx.msk [tilespmem:v2+s3+$0x0], $0xffff  }
0x5b: {  	v9 =	vld [tilespmem:s29+$0x0]  }
0x5c: {  	v1 =	vadd.f32 v1, v0;
	v12 =	vmul.f32 v3, v3;
	v7 =	vsub.f32 v11, v7;
	v0 =	vld.idx.msk [tilespmem:v5+s3+$0x0], $0xffff  }
.Ltmp2:
0x5d: {  	v3 =	vld [tilespmem:s29+$0x10];
	(pc) =	sbr.rel @p0 .LBB2_6-.Ltmp2, $4  }
0x5e: {  	v5 =	vadd.f32 v12, v1;
	v7 =	vmul.f32 v7, v7;
	v8 =	vsub.f32 v8, v6;
	v1 =	vld.idx.msk [tilespmem:v4+s3+$0x0], $0xffff  }
0x5f: {  	v4 =	vld [tilespmem:s29+$0x20]  }
0x60: {  	v6 =	vadd.f32 v7, v5;
	v7 =	vmul.f32 v8, v8;
	v8 =	vsub.f32 v9, v2;
	v2 =	vld.idx.msk [tilespmem:v10+s3+$0x0], $0xffff  }
0x61: {  	s31 =	sadd.s32 $0x80, s31;
	v5 =	vld [tilespmem:s29+$0x30]  }
0x62: {  	v6 =	vadd.f32 v7, v6;
	v63 =	vmul.f32 v8, v8;
	v0 =	vsub.f32 v3, v0;
	_ =	sdelay $0x1  }
0x63: {  	v3 =	vadd.f32 v63, v6;
	v0 =	vmul.f32 v0, v0;
	v1 =	vsub.f32 v4, v1;
	_ =	sdelay $0x1  }
0x64: {  	v0 =	vadd.f32 v0, v3;
	v1 =	vmul.f32 v1, v1;
	v2 =	vsub.f32 v5, v2;
	_ =	sdelay $0x1  }
0x65: {  	v0 =	vadd.f32 v1, v0;
	v1 =	vmul.f32 v2, v2  }
0x66: {  	s29 =	simm.s32 $0x1C700  }
0x67: {  	s30 =	simm.s32 $0x80;
	s0 =	sadd.s32 $0x0, s8;
	s31 =	simm.s32 $0x1C800;
	v0 =	vadd.f32 v1, v0  }
.LBB2_8:
0x68: {  	[tilespmem:s29], [sflag:$0x3] =	stream.linear.gather [hbm4b:s0+s3], $0x80, $0x38;
	[tilespmem:$0x1E780] =	vst v63  }
0x69: {  	s0 =	smov.u32 s30;
	s29 =	smov.u32 s31;
	p0 =	sne.s32 s30, $0xF80  }
.Ltmp3:
0x6a: {  	s30 =	sadd.s32 $0x80, s30;
	(pc) =	sbr.rel @p0 .LBB2_8-.Ltmp3, $2  }
0x6b: {  	_ =	sdelay $0x2  }
0x6c: {  	s31 =	sadd.s32 $0x100, s31;
	s0 =	sadd.s32 s0, s8  }
0x6d: {  	[tilespmem:s29], [sflag:$0x3] =	stream.linear.gather [hbm4b:s0+s3], $0x80, $0x38;
	[tilespmem:$0x1E780] =	vst v63  }
0x6e: {  	_ =	swait.ge [sflag:s24], $0x1000  }
0x6f: {  	[sflag:s24] =	ssyncset.done $0x0  }
0x70: {  	[sflag:s24] =	ssyncadd.s32 $0xFFFFF000  }
0x71: {  	_ =	swait.ge [sflag:s22], $0x3000  }
0x72: {  	[sflag:s22] =	ssyncset.done $0x0  }
0x73: {  	s0 =	simm.s32 $0x19770;
	[sflag:s22] =	ssyncadd.s32 $0xFFFFD000  }
0x74: {  	v1 =	vld [tilespmem:s0+$0xFFFFFF90]  }
0x75: {  	v2 =	vld [tilespmem:s0+$0x0]  }
0x76: {  	v3 =	vld [tilespmem:s0+$0xFFFFFFA0]  }
0x77: {  	v4 =	vld [tilespmem:s0+$0xFFFFFFF0]  }
0x78: {  	v5 =	vld [tilespmem:s0+$0xFFFFFFB0]  }
0x79: {  	v6 =	vld [tilespmem:s0+$0xFFFFFFE0]  }
0x7a: {  	v7 =	vld [tilespmem:s0+$0xFFFFFFC0]  }
0x7b: {  	s29 =	simm.s32 $0x1C7F0;
	v8 =	vld [tilespmem:s0+$0xFFFFFFD0]  }
0x7c: {  	v9 =	vld [tilespmem:s29+$0xFFFFFF90]  }
0x7d: {  	v1 =	vld.idx.msk [tilespmem:v1+s3+$0x0], $0xffff  }
0x7e: {  	v10 =	vld [tilespmem:s29+$0xFFFFFFA0]  }
0x7f: {  	v3 =	vld.idx.msk [tilespmem:v3+s3+$0x0], $0xffff  }
0x80: {  	v11 =	vld [tilespmem:s29+$0xFFFFFFB0]  }
0x81: {  	v5 =	vld.idx.msk [tilespmem:v5+s3+$0x0], $0xffff  }
0x82: {  	v7 =	vld.idx.msk [tilespmem:v7+s3+$0x0], $0xffff;
	v1 =	vsub.f32 v9, v1  }
0x83: {  	v9 =	vld [tilespmem:s29+$0xFFFFFFC0]  }
0x84: {  	v8 =	vld.idx.msk [tilespmem:v8+s3+$0x0], $0xffff;
	v3 =	vsub.f32 v10, v3;
	v12 =	vmul.f32 v1, v1  }
0x85: {  	v10 =	vld [tilespmem:s29+$0xFFFFFFD0]  }
0x86: {  	v5 =	vsub.f32 v11, v5;
	v1 =	vld.idx.msk [tilespmem:v6+s3+$0x0], $0xffff;
	v63 =	vmul.f32 v3, v3;
	v6 =	vadd.f32 v12, v0  }
0x87: {  	v3 =	vld [tilespmem:s29+$0xFFFFFFE0]  }
0x88: {  	v5 =	vmul.f32 v5, v5;
	v0 =	vld.idx.msk [tilespmem:v4+s3+$0x0], $0xffff;
	v7 =	vsub.f32 v9, v7;
	v6 =	vadd.f32 v63, v6  }
0x89: {  	v4 =	vld [tilespmem:s29+$0xFFFFFFF0]  }
0x8a: {  	v2 =	vld.idx.msk [tilespmem:v2+s3+$0x0], $0xffff;
	v8 =	vsub.f32 v10, v8;
	v7 =	vmul.f32 v7, v7;
	v6 =	vadd.f32 v5, v6  }
0x8b: {  	s30 =	simm.s32 $0x0;
	s31 =	simm.s32 $0x197F0;
	v5 =	vld [tilespmem:s29+$0x0]  }
.LBB2_10:
0x8c: {  	v9 =	vld [tilespmem:s31+$0xFFFFFF90];
	s30 =	sadd.s32 $0x8, s30;
	v6 =	vadd.f32 v7, v6;
	v7 =	vmul.f32 v8, v8;
	v1 =	vsub.f32 v3, v1  }
0x8d: {  	v10 =	vld [tilespmem:s31+$0x0];
	p0 =	slt.u32 s30, $0xF8  }
0x8e: {  	v3 =	vld [tilespmem:s31+$0xFFFFFFA0];
	v6 =	vadd.f32 v7, v6;
	v1 =	vmul.f32 v1, v1;
	v0 =	vsub.f32 v4, v0  }
0x8f: {  	v4 =	vld [tilespmem:s31+$0xFFFFFFF0]  }
0x90: {  	v7 =	vld [tilespmem:s31+$0xFFFFFFB0];
	v1 =	vadd.f32 v1, v6;
	v0 =	vmul.f32 v0, v0;
	v2 =	vsub.f32 v5, v2  }
0x91: {  	v5 =	vld [tilespmem:s31+$0xFFFFFFE0]  }
0x92: {  	v6 =	vld [tilespmem:s31+$0xFFFFFFC0];
	v0 =	vadd.f32 v0, v1;
	v1 =	vmul.f32 v2, v2  }
0x93: {  	v2 =	vld [tilespmem:s31+$0xFFFFFFD0]  }
0x94: {  	s29 =	sadd.s32 $0x100, s29;
	v8 =	vld.idx.msk [tilespmem:v9+s3+$0x0], $0xffff;
	v0 =	vadd.f32 v1, v0  }
0x95: {  	v1 =	vld [tilespmem:s29+$0xFFFFFF90]  }
0x96: {  	v3 =	vld.idx.msk [tilespmem:v3+s3+$0x0], $0xffff  }
0x97: {  	v9 =	vld [tilespmem:s29+$0xFFFFFFA0]  }
0x98: {  	v7 =	vld.idx.msk [tilespmem:v7+s3+$0x0], $0xffff  }
0x99: {  	v11 =	vld [tilespmem:s29+$0xFFFFFFB0]  }
0x9a: {  	v1 =	vsub.f32 v1, v8;
	v6 =	vld.idx.msk [tilespmem:v6+s3+$0x0], $0xffff  }
0x9b: {  	v8 =	vld [tilespmem:s29+$0xFFFFFFC0]  }
0x9c: {  	v1 =	vmul.f32 v1, v1;
	v3 =	vsub.f32 v9, v3;
	v2 =	vld.idx.msk [tilespmem:v2+s3+$0x0], $0xffff  }
0x9d: {  	v9 =	vld [tilespmem:s29+$0xFFFFFFD0]  }
0x9e: {  	v0 =	vadd.f32 v1, v0;
	v12 =	vmul.f32 v3, v3;
	v7 =	vsub.f32 v11, v7;
	v1 =	vld.idx.msk [tilespmem:v5+s3+$0x0], $0xffff  }
.Ltmp4:
0x9f: {  	v3 =	vld [tilespmem:s29+$0xFFFFFFE0];
	(pc) =	sbr.rel @p0 .LBB2_10-.Ltmp4, $4  }
0xa0: {  	v5 =	vadd.f32 v12, v0;
	v7 =	vmul.f32 v7, v7;
	v8 =	vsub.f32 v8, v6;
	v0 =	vld.idx.msk [tilespmem:v4+s3+$0x0], $0xffff  }
0xa1: {  	v4 =	vld [tilespmem:s29+$0xFFFFFFF0]  }
0xa2: {  	v6 =	vadd.f32 v7, v5;
	v7 =	vmul.f32 v8, v8;
	v8 =	vsub.f32 v9, v2;
	v2 =	vld.idx.msk [tilespmem:v10+s3+$0x0], $0xffff  }
0xa3: {  	s31 =	sadd.s32 $0x80, s31;
	v5 =	vld [tilespmem:s29+$0x0]  }
0xa4: {  	v6 =	vadd.f32 v7, v6;
	v63 =	vmul.f32 v8, v8;
	v1 =	vsub.f32 v3, v1;
	_ =	sdelay $0x1  }
0xa5: {  	v3 =	vadd.f32 v63, v6;
	v1 =	vmul.f32 v1, v1;
	v0 =	vsub.f32 v4, v0;
	_ =	sdelay $0x1  }
0xa6: {  	v1 =	vadd.f32 v1, v3;
	v0 =	vmul.f32 v0, v0;
	v2 =	vsub.f32 v5, v2;
	_ =	sdelay $0x1  }
0xa7: {  	v0 =	vadd.f32 v0, v1;
	v1 =	vmul.f32 v2, v2  }
0xa8: {  	s29 =	simm.s32 $0x1C780  }
0xa9: {  	s30 =	simm.s32 $0x80;
	s0 =	sadd.s32 $0x0, s9;
	s31 =	simm.s32 $0x1C880;
	v0 =	vadd.f32 v1, v0  }
.LBB2_12:
0xaa: {  	[tilespmem:s29], [sflag:$0x4] =	stream.linear.gather [hbm4b:s0+s3], $0x80, $0x38;
	[tilespmem:$0x1E780] =	vst v63  }
0xab: {  	s0 =	smov.u32 s30;
	s29 =	smov.u32 s31;
	p0 =	sne.s32 s30, $0xF80  }
.Ltmp5:
0xac: {  	s30 =	sadd.s32 $0x80, s30;
	(pc) =	sbr.rel @p0 .LBB2_12-.Ltmp5, $2  }
0xad: {  	_ =	sdelay $0x2  }
0xae: {  	s31 =	sadd.s32 $0x100, s31;
	s0 =	sadd.s32 s0, s9  }
0xaf: {  	[tilespmem:s29], [sflag:$0x4] =	stream.linear.gather [hbm4b:s0+s3], $0x80, $0x38;
	[tilespmem:$0x1E780] =	vst v63  }
0xb0: {  	_ =	swait.ge [sflag:s23], $0x1000  }
0xb1: {  	[sflag:s23] =	ssyncset.done $0x0  }
0xb2: {  	s0 =	simm.s32 $0x1A770;
	[sflag:s23] =	ssyncadd.s32 $0xFFFFF000  }
0xb3: {  	v1 =	vld [tilespmem:s0+$0xFFFFFF90]  }
0xb4: {  	v5 =	vld [tilespmem:s0+$0x0]  }
0xb5: {  	v2 =	vld [tilespmem:s0+$0xFFFFFFA0]  }
0xb6: {  	v3 =	vld [tilespmem:s0+$0xFFFFFFF0]  }
0xb7: {  	v4 =	vld [tilespmem:s0+$0xFFFFFFB0]  }
0xb8: {  	v6 =	vld [tilespmem:s0+$0xFFFFFFE0]  }
0xb9: {  	v7 =	vld [tilespmem:s0+$0xFFFFFFC0]  }
0xba: {  	s29 =	simm.s32 $0x1C740;
	v8 =	vld [tilespmem:s0+$0xFFFFFFD0]  }
0xbb: {  	v9 =	vld [tilespmem:s29+$0xFFFFFFC0]  }
0xbc: {  	v1 =	vld.idx.msk [tilespmem:v1+s3+$0x0], $0xffff  }
0xbd: {  	v10 =	vld [tilespmem:s29+$0xFFFFFFD0]  }
0xbe: {  	v2 =	vld.idx.msk [tilespmem:v2+s3+$0x0], $0xffff  }
0xbf: {  	v11 =	vld [tilespmem:s29+$0xFFFFFFE0]  }
0xc0: {  	v4 =	vld.idx.msk [tilespmem:v4+s3+$0x0], $0xffff  }
0xc1: {  	v7 =	vld.idx.msk [tilespmem:v7+s3+$0x0], $0xffff;
	v1 =	vsub.f32 v9, v1  }
0xc2: {  	v9 =	vld [tilespmem:s29+$0xFFFFFFF0]  }
0xc3: {  	v12 =	vld [tilespmem:s29+$0x0];
	v10 =	vsub.f32 v10, v2;
	v1 =	vmul.f32 v1, v1  }
0xc4: {  	v8 =	vld.idx.msk [tilespmem:v8+s3+$0x0], $0xffff  }
0xc5: {  	v2 =	vld.idx.msk [tilespmem:v6+s3+$0x0], $0xffff;
	v6 =	vmul.f32 v10, v10;
	v10 =	vsub.f32 v11, v4;
	v1 =	vadd.f32 v1, v0  }
0xc6: {  	v4 =	vld [tilespmem:s29+$0x10]  }
0xc7: {  	v0 =	vld.idx.msk [tilespmem:v3+s3+$0x0], $0xffff;
	v10 =	vmul.f32 v10, v10;
	v7 =	vsub.f32 v9, v7;
	v6 =	vadd.f32 v6, v1  }
0xc8: {  	v3 =	vld [tilespmem:s29+$0x20]  }
0xc9: {  	v8 =	vsub.f32 v12, v8;
	v1 =	vld.idx.msk [tilespmem:v5+s3+$0x0], $0xffff;
	v7 =	vmul.f32 v7, v7;
	v6 =	vadd.f32 v10, v6  }
0xca: {  	s30 =	simm.s32 $0x0;
	s31 =	simm.s32 $0x1A7F0;
	v5 =	vld [tilespmem:s29+$0x30]  }
.LBB2_14:
0xcb: {  	v9 =	vld [tilespmem:s31+$0xFFFFFF90];
	s30 =	sadd.s32 $0x8, s30;
	v6 =	vadd.f32 v7, v6;
	v7 =	vmul.f32 v8, v8;
	v2 =	vsub.f32 v4, v2  }
0xcc: {  	v10 =	vld [tilespmem:s31+$0x0];
	p0 =	slt.u32 s30, $0xF8  }
0xcd: {  	v4 =	vld [tilespmem:s31+$0xFFFFFFA0];
	v6 =	vadd.f32 v7, v6;
	v2 =	vmul.f32 v2, v2;
	v0 =	vsub.f32 v3, v0  }
0xce: {  	v3 =	vld [tilespmem:s31+$0xFFFFFFF0]  }
0xcf: {  	v7 =	vld [tilespmem:s31+$0xFFFFFFB0];
	v2 =	vadd.f32 v2, v6;
	v0 =	vmul.f32 v0, v0;
	v1 =	vsub.f32 v5, v1  }
0xd0: {  	v5 =	vld [tilespmem:s31+$0xFFFFFFE0]  }
0xd1: {  	v6 =	vld [tilespmem:s31+$0xFFFFFFC0];
	v0 =	vadd.f32 v0, v2;
	v1 =	vmul.f32 v1, v1  }
0xd2: {  	v2 =	vld [tilespmem:s31+$0xFFFFFFD0]  }
0xd3: {  	s29 =	sadd.s32 $0x100, s29;
	v8 =	vld.idx.msk [tilespmem:v9+s3+$0x0], $0xffff;
	v0 =	vadd.f32 v1, v0  }
0xd4: {  	v1 =	vld [tilespmem:s29+$0xFFFFFFC0]  }
0xd5: {  	v4 =	vld.idx.msk [tilespmem:v4+s3+$0x0], $0xffff  }
0xd6: {  	v9 =	vld [tilespmem:s29+$0xFFFFFFD0]  }
0xd7: {  	v7 =	vld.idx.msk [tilespmem:v7+s3+$0x0], $0xffff  }
0xd8: {  	v11 =	vld [tilespmem:s29+$0xFFFFFFE0]  }
0xd9: {  	v1 =	vsub.f32 v1, v8;
	v6 =	vld.idx.msk [tilespmem:v6+s3+$0x0], $0xffff  }
0xda: {  	v8 =	vld [tilespmem:s29+$0xFFFFFFF0]  }
0xdb: {  	v1 =	vmul.f32 v1, v1;
	v4 =	vsub.f32 v9, v4;
	v9 =	vld.idx.msk [tilespmem:v2+s3+$0x0], $0xffff  }
0xdc: {  	v12 =	vld [tilespmem:s29+$0x0]  }
0xdd: {  	v0 =	vadd.f32 v1, v0;
	v1 =	vmul.f32 v4, v4;
	v7 =	vsub.f32 v11, v7;
	v2 =	vld.idx.msk [tilespmem:v5+s3+$0x0], $0xffff  }
.Ltmp6:
0xde: {  	v4 =	vld [tilespmem:s29+$0x10];
	(pc) =	sbr.rel @p0 .LBB2_14-.Ltmp6, $4  }
0xdf: {  	v1 =	vadd.f32 v1, v0;
	v5 =	vmul.f32 v7, v7;
	v7 =	vsub.f32 v8, v6;
	v0 =	vld.idx.msk [tilespmem:v3+s3+$0x0], $0xffff  }
0xe0: {  	v3 =	vld [tilespmem:s29+$0x20]  }
0xe1: {  	v6 =	vadd.f32 v5, v1;
	v7 =	vmul.f32 v7, v7;
	v8 =	vsub.f32 v12, v9;
	v1 =	vld.idx.msk [tilespmem:v10+s3+$0x0], $0xffff  }
0xe2: {  	s31 =	sadd.s32 $0x80, s31;
	v5 =	vld [tilespmem:s29+$0x30]  }
0xe3: {  	_ =	swait.ge [sflag:s24], $0x1000  }
0xe4: {  	[sflag:s24] =	ssyncset.done $0x0  }
0xe5: {  	s0 =	simm.s32 $0x1B770;
	[sflag:s24] =	ssyncadd.s32 $0xFFFFF000  }
0xe6: {  	v9 =	vld [tilespmem:s0+$0xFFFFFF90]  }
0xe7: {  	v10 =	vld [tilespmem:s0+$0x0]  }
0xe8: {  	v11 =	vld [tilespmem:s0+$0xFFFFFFA0]  }
0xe9: {  	v12 =	vld [tilespmem:s0+$0xFFFFFFF0]  }
0xea: {  	v13 =	vld [tilespmem:s0+$0xFFFFFFB0]  }
0xeb: {  	v14 =	vld [tilespmem:s0+$0xFFFFFFE0]  }
0xec: {  	v15 =	vld [tilespmem:s0+$0xFFFFFFC0]  }
0xed: {  	s29 =	simm.s32 $0x1C7F0;
	v16 =	vld [tilespmem:s0+$0xFFFFFFD0]  }
0xee: {  	v6 =	vadd.f32 v7, v6;
	v7 =	vmul.f32 v8, v8;
	v2 =	vsub.f32 v4, v2;
	v4 =	vld [tilespmem:s29+$0xFFFFFF90]  }
0xef: {  	v9 =	vld.idx.msk [tilespmem:v9+s3+$0x0], $0xffff  }
0xf0: {  	v6 =	vadd.f32 v7, v6;
	v2 =	vmul.f32 v2, v2;
	v0 =	vsub.f32 v3, v0;
	v3 =	vld [tilespmem:s29+$0xFFFFFFA0]  }
0xf1: {  	v8 =	vld.idx.msk [tilespmem:v11+s3+$0x0], $0xffff  }
0xf2: {  	v2 =	vadd.f32 v2, v6;
	v0 =	vmul.f32 v0, v0;
	v1 =	vsub.f32 v5, v1;
	v5 =	vld [tilespmem:s29+$0xFFFFFFB0]  }
0xf3: {  	v7 =	vld.idx.msk [tilespmem:v13+s3+$0x0], $0xffff  }
0xf4: {  	v0 =	vadd.f32 v0, v2;
	v1 =	vmul.f32 v1, v1;
	v6 =	vld.idx.msk [tilespmem:v15+s3+$0x0], $0xffff;
	v2 =	vsub.f32 v4, v9  }
0xf5: {  	v4 =	vld [tilespmem:s29+$0xFFFFFFC0]  }
0xf6: {  	v1 =	vadd.f32 v1, v0;
	v9 =	vld.idx.msk [tilespmem:v16+s3+$0x0], $0xffff;
	v3 =	vsub.f32 v3, v8;
	v2 =	vmul.f32 v2, v2  }
0xf7: {  	v8 =	vld [tilespmem:s29+$0xFFFFFFD0]  }
0xf8: {  	v0 =	vld.idx.msk [tilespmem:v14+s3+$0x0], $0xffff;
	v5 =	vsub.f32 v5, v7;
	v11 =	vmul.f32 v3, v3;
	v2 =	vadd.f32 v2, v1  }
0xf9: {  	v3 =	vld [tilespmem:s29+$0xFFFFFFE0]  }
0xfa: {  	v5 =	vmul.f32 v5, v5;
	v1 =	vld.idx.msk [tilespmem:v12+s3+$0x0], $0xffff;
	v7 =	vadd.f32 v11, v2;
	v11 =	vsub.f32 v4, v6  }
0xfb: {  	v4 =	vld [tilespmem:s29+$0xFFFFFFF0]  }
0xfc: {  	v8 =	vsub.f32 v8, v9;
	v2 =	vld.idx.msk [tilespmem:v10+s3+$0x0], $0xffff;
	v6 =	vadd.f32 v5, v7;
	v7 =	vmul.f32 v11, v11  }
0xfd: {  	s30 =	simm.s32 $0x0;
	s31 =	simm.s32 $0x1B7F0;
	v5 =	vld [tilespmem:s29+$0x0]  }
.LBB2_16:
0xfe: {  	v9 =	vld [tilespmem:s31+$0xFFFFFF90];
	s30 =	sadd.s32 $0x8, s30;
	v6 =	vadd.f32 v7, v6;
	v7 =	vmul.f32 v8, v8;
	v0 =	vsub.f32 v3, v0  }
0xff: {  	v10 =	vld [tilespmem:s31+$0x0];
	p0 =	slt.u32 s30, $0xF8  }
0x100: {  	v3 =	vld [tilespmem:s31+$0xFFFFFFA0];
	v6 =	vadd.f32 v7, v6;
	v0 =	vmul.f32 v0, v0;
	v1 =	vsub.f32 v4, v1  }
0x101: {  	v4 =	vld [tilespmem:s31+$0xFFFFFFF0]  }
0x102: {  	v7 =	vld [tilespmem:s31+$0xFFFFFFB0];
	v0 =	vadd.f32 v0, v6;
	v1 =	vmul.f32 v1, v1;
	v2 =	vsub.f32 v5, v2  }
0x103: {  	v5 =	vld [tilespmem:s31+$0xFFFFFFE0]  }
0x104: {  	v6 =	vld [tilespmem:s31+$0xFFFFFFC0];
	v0 =	vadd.f32 v1, v0;
	v1 =	vmul.f32 v2, v2  }
0x105: {  	v2 =	vld [tilespmem:s31+$0xFFFFFFD0]  }
0x106: {  	s29 =	sadd.s32 $0x100, s29;
	v8 =	vld.idx.msk [tilespmem:v9+s3+$0x0], $0xffff;
	v0 =	vadd.f32 v1, v0  }
0x107: {  	v1 =	vld [tilespmem:s29+$0xFFFFFF90]  }
0x108: {  	v3 =	vld.idx.msk [tilespmem:v3+s3+$0x0], $0xffff  }
0x109: {  	v9 =	vld [tilespmem:s29+$0xFFFFFFA0]  }
0x10a: {  	v7 =	vld.idx.msk [tilespmem:v7+s3+$0x0], $0xffff  }
0x10b: {  	v11 =	vld [tilespmem:s29+$0xFFFFFFB0]  }
0x10c: {  	v1 =	vsub.f32 v1, v8;
	v6 =	vld.idx.msk [tilespmem:v6+s3+$0x0], $0xffff  }
0x10d: {  	v8 =	vld [tilespmem:s29+$0xFFFFFFC0]  }
0x10e: {  	v1 =	vmul.f32 v1, v1;
	v3 =	vsub.f32 v9, v3;
	v2 =	vld.idx.msk [tilespmem:v2+s3+$0x0], $0xffff  }
0x10f: {  	v9 =	vld [tilespmem:s29+$0xFFFFFFD0]  }
0x110: {  	v1 =	vadd.f32 v1, v0;
	v12 =	vmul.f32 v3, v3;
	v7 =	vsub.f32 v11, v7;
	v0 =	vld.idx.msk [tilespmem:v5+s3+$0x0], $0xffff  }
.Ltmp7:
0x111: {  	v3 =	vld [tilespmem:s29+$0xFFFFFFE0];
	(pc) =	sbr.rel @p0 .LBB2_16-.Ltmp7, $4  }
0x112: {  	v5 =	vadd.f32 v12, v1;
	v7 =	vmul.f32 v7, v7;
	v8 =	vsub.f32 v8, v6;
	v1 =	vld.idx.msk [tilespmem:v4+s3+$0x0], $0xffff  }
0x113: {  	v4 =	vld [tilespmem:s29+$0xFFFFFFF0]  }
0x114: {  	v6 =	vadd.f32 v7, v5;
	v7 =	vmul.f32 v8, v8;
	v8 =	vsub.f32 v9, v2;
	v2 =	vld.idx.msk [tilespmem:v10+s3+$0x0], $0xffff  }
0x115: {  	s31 =	sadd.s32 $0x80, s31;
	v5 =	vld [tilespmem:s29+$0x0]  }
0x116: {  	v6 =	vadd.f32 v7, v6;
	v63 =	vmul.f32 v8, v8;
	v0 =	vsub.f32 v3, v0;
	_ =	sdelay $0x1  }
0x117: {  	v3 =	vadd.f32 v63, v6;
	v0 =	vmul.f32 v0, v0;
	v1 =	vsub.f32 v4, v1;
	_ =	sdelay $0x1  }
0x118: {  	v0 =	vadd.f32 v0, v3;
	v1 =	vmul.f32 v1, v1;
	v2 =	vsub.f32 v5, v2;
	_ =	sdelay $0x1  }
0x119: {  	s0 =	simm.s32 $0x0;
	s29 =	simm.s32 $0x1C700;
	v0 =	vadd.f32 v1, v0;
	v1 =	vmul.f32 v2, v2  }
0x11a: {  	[tilespmem:s0], [sflag:$0x2] =	stream.strided.gather [hbm4b:s10+s18], $0x18700, s19, s18, $0x38;
	[tilespmem:$0x1E780] =	vst v63  }
0x11b: {  	s30 =	simm.s32 $0x80;
	s31 =	simm.s32 $0x1C800;
	s0 =	sadd.s32 $0x0, s11;
	v0 =	vadd.f32 v1, v0  }
.LBB2_18:
0x11c: {  	[tilespmem:s29], [sflag:$0x3] =	stream.linear.gather [hbm4b:s0+s3], $0x80, $0x38;
	[tilespmem:$0x1E780] =	vst v63  }
0x11d: {  	s0 =	smov.u32 s30;
	s29 =	smov.u32 s31;
	p0 =	sne.s32 s30, $0xF80  }
.Ltmp8:
0x11e: {  	s30 =	sadd.s32 $0x80, s30;
	(pc) =	sbr.rel @p0 .LBB2_18-.Ltmp8, $2  }
0x11f: {  	_ =	sdelay $0x2  }
0x120: {  	s31 =	sadd.s32 $0x100, s31;
	s0 =	sadd.s32 s0, s11  }
0x121: {  	[tilespmem:s29], [sflag:$0x3] =	stream.linear.gather [hbm4b:s0+s3], $0x80, $0x38;
	[tilespmem:$0x1E780] =	vst v63  }
0x122: {  	_ =	swait.ge [sflag:s21], $0x18700  }
0x123: {  	s29 =	simm.s32 $0x1C780;
	s30 =	simm.s32 $0x80;
	[sflag:s21] =	ssyncset.done $0x0  }
0x124: {  	s0 =	sadd.s32 $0x0, s12;
	s31 =	simm.s32 $0x1C880;
	[sflag:s21] =	ssyncadd.s32 $0xFFFE7900  }
.LBB2_20:
0x125: {  	[tilespmem:s29], [sflag:$0x4] =	stream.linear.gather [hbm4b:s0+s3], $0x80, $0x38;
	[tilespmem:$0x1E780] =	vst v63  }
0x126: {  	s0 =	smov.u32 s30;
	s29 =	smov.u32 s31;
	p0 =	sne.s32 s30, $0xF80  }
.Ltmp9:
0x127: {  	s30 =	sadd.s32 $0x80, s30;
	(pc) =	sbr.rel @p0 .LBB2_20-.Ltmp9, $2  }
0x128: {  	_ =	sdelay $0x2  }
0x129: {  	s31 =	sadd.s32 $0x100, s31;
	s0 =	sadd.s32 s0, s12  }
0x12a: {  	[tilespmem:s29], [sflag:$0x4] =	stream.linear.gather [hbm4b:s0+s3], $0x80, $0x38;
	[tilespmem:$0x1E780] =	vst v63  }
0x12b: {  	_ =	swait.ge [sflag:s23], $0x1000  }
0x12c: {  	[sflag:s23] =	ssyncset.done $0x0  }
0x12d: {  	s0 =	simm.s32 $0x18740;
	[sflag:s23] =	ssyncadd.s32 $0xFFFFF000  }
0x12e: {  	v1 =	vld [tilespmem:s0+$0xFFFFFFC0]  }
0x12f: {  	v2 =	vld [tilespmem:s0+$0x30]  }
0x130: {  	v3 =	vld [tilespmem:s0+$0xFFFFFFD0]  }
0x131: {  	v4 =	vld [tilespmem:s0+$0x20]  }
0x132: {  	v5 =	vld [tilespmem:s0+$0xFFFFFFE0]  }
0x133: {  	v6 =	vld [tilespmem:s0+$0x10]  }
0x134: {  	v7 =	vld [tilespmem:s0+$0xFFFFFFF0]  }
0x135: {  	s29 =	simm.s32 $0x1C740;
	v8 =	vld [tilespmem:s0+$0x0]  }
0x136: {  	v9 =	vld [tilespmem:s29+$0xFFFFFFC0]  }
0x137: {  	v1 =	vld.idx.msk [tilespmem:v1+s3+$0x0], $0xffff  }
0x138: {  	v10 =	vld [tilespmem:s29+$0xFFFFFFD0]  }
0x139: {  	v3 =	vld.idx.msk [tilespmem:v3+s3+$0x0], $0xffff  }
0x13a: {  	v11 =	vld [tilespmem:s29+$0xFFFFFFE0]  }
0x13b: {  	v5 =	vld.idx.msk [tilespmem:v5+s3+$0x0], $0xffff  }
0x13c: {  	v7 =	vld.idx.msk [tilespmem:v7+s3+$0x0], $0xffff;
	v1 =	vsub.f32 v9, v1  }
0x13d: {  	v9 =	vld [tilespmem:s29+$0xFFFFFFF0]  }
0x13e: {  	v8 =	vld.idx.msk [tilespmem:v8+s3+$0x0], $0xffff;
	v3 =	vsub.f32 v10, v3;
	v12 =	vmul.f32 v1, v1  }
0x13f: {  	v10 =	vld [tilespmem:s29+$0x0]  }
0x140: {  	v5 =	vsub.f32 v11, v5;
	v1 =	vld.idx.msk [tilespmem:v6+s3+$0x0], $0xffff;
	v63 =	vmul.f32 v3, v3;
	v6 =	vadd.f32 v12, v0  }
0x141: {  	v3 =	vld [tilespmem:s29+$0x10]  }
0x142: {  	v5 =	vmul.f32 v5, v5;
	v0 =	vld.idx.msk [tilespmem:v4+s3+$0x0], $0xffff;
	v7 =	vsub.f32 v9, v7;
	v6 =	vadd.f32 v63, v6  }
0x143: {  	v4 =	vld [tilespmem:s29+$0x20]  }
0x144: {  	v2 =	vld.idx.msk [tilespmem:v2+s3+$0x0], $0xffff;
	v8 =	vsub.f32 v10, v8;
	v7 =	vmul.f32 v7, v7;
	v6 =	vadd.f32 v5, v6  }
0x145: {  	s30 =	simm.s32 $0x0;
	s31 =	simm.s32 $0x187C0;
	v5 =	vld [tilespmem:s29+$0x30]  }
.LBB2_22:
0x146: {  	v9 =	vld [tilespmem:s31+$0xFFFFFFC0];
	s30 =	sadd.s32 $0x8, s30;
	v6 =	vadd.f32 v7, v6;
	v7 =	vmul.f32 v8, v8;
	v1 =	vsub.f32 v3, v1  }
0x147: {  	v10 =	vld [tilespmem:s31+$0x30];
	p0 =	slt.u32 s30, $0xF8  }
0x148: {  	v3 =	vld [tilespmem:s31+$0xFFFFFFD0];
	v6 =	vadd.f32 v7, v6;
	v1 =	vmul.f32 v1, v1;
	v0 =	vsub.f32 v4, v0  }
0x149: {  	v4 =	vld [tilespmem:s31+$0x20]  }
0x14a: {  	v7 =	vld [tilespmem:s31+$0xFFFFFFE0];
	v1 =	vadd.f32 v1, v6;
	v0 =	vmul.f32 v0, v0;
	v2 =	vsub.f32 v5, v2  }
0x14b: {  	v5 =	vld [tilespmem:s31+$0x10]  }
0x14c: {  	v6 =	vld [tilespmem:s31+$0xFFFFFFF0];
	v0 =	vadd.f32 v0, v1;
	v1 =	vmul.f32 v2, v2  }
0x14d: {  	v2 =	vld [tilespmem:s31+$0x0]  }
0x14e: {  	s29 =	sadd.s32 $0x100, s29;
	v8 =	vld.idx.msk [tilespmem:v9+s3+$0x0], $0xffff;
	v0 =	vadd.f32 v1, v0  }
0x14f: {  	v1 =	vld [tilespmem:s29+$0xFFFFFFC0]  }
0x150: {  	v3 =	vld.idx.msk [tilespmem:v3+s3+$0x0], $0xffff  }
0x151: {  	v9 =	vld [tilespmem:s29+$0xFFFFFFD0]  }
0x152: {  	v7 =	vld.idx.msk [tilespmem:v7+s3+$0x0], $0xffff  }
0x153: {  	v11 =	vld [tilespmem:s29+$0xFFFFFFE0]  }
0x154: {  	v1 =	vsub.f32 v1, v8;
	v6 =	vld.idx.msk [tilespmem:v6+s3+$0x0], $0xffff  }
0x155: {  	v8 =	vld [tilespmem:s29+$0xFFFFFFF0]  }
0x156: {  	v1 =	vmul.f32 v1, v1;
	v3 =	vsub.f32 v9, v3;
	v2 =	vld.idx.msk [tilespmem:v2+s3+$0x0], $0xffff  }
0x157: {  	v9 =	vld [tilespmem:s29+$0x0]  }
0x158: {  	v0 =	vadd.f32 v1, v0;
	v12 =	vmul.f32 v3, v3;
	v7 =	vsub.f32 v11, v7;
	v1 =	vld.idx.msk [tilespmem:v5+s3+$0x0], $0xffff  }
.Ltmp10:
0x159: {  	v3 =	vld [tilespmem:s29+$0x10];
	(pc) =	sbr.rel @p0 .LBB2_22-.Ltmp10, $4  }
0x15a: {  	v5 =	vadd.f32 v12, v0;
	v7 =	vmul.f32 v7, v7;
	v8 =	vsub.f32 v8, v6;
	v0 =	vld.idx.msk [tilespmem:v4+s3+$0x0], $0xffff  }
0x15b: {  	v4 =	vld [tilespmem:s29+$0x20]  }
0x15c: {  	v6 =	vadd.f32 v7, v5;
	v7 =	vmul.f32 v8, v8;
	v8 =	vsub.f32 v9, v2;
	v2 =	vld.idx.msk [tilespmem:v10+s3+$0x0], $0xffff  }
0x15d: {  	s31 =	sadd.s32 $0x80, s31;
	v5 =	vld [tilespmem:s29+$0x30]  }
0x15e: {  	v6 =	vadd.f32 v7, v6;
	v63 =	vmul.f32 v8, v8;
	v1 =	vsub.f32 v3, v1;
	_ =	sdelay $0x1  }
0x15f: {  	v3 =	vadd.f32 v63, v6;
	v1 =	vmul.f32 v1, v1;
	v0 =	vsub.f32 v4, v0;
	_ =	sdelay $0x1  }
0x160: {  	v1 =	vadd.f32 v1, v3;
	v0 =	vmul.f32 v0, v0;
	v2 =	vsub.f32 v5, v2;
	_ =	sdelay $0x1  }
0x161: {  	v0 =	vadd.f32 v0, v1;
	v1 =	vmul.f32 v2, v2  }
0x162: {  	s29 =	simm.s32 $0x1C700  }
0x163: {  	s30 =	simm.s32 $0x80;
	s0 =	sadd.s32 $0x0, s13;
	s31 =	simm.s32 $0x1C800;
	v0 =	vadd.f32 v1, v0  }
.LBB2_24:
0x164: {  	[tilespmem:s29], [sflag:$0x3] =	stream.linear.gather [hbm4b:s0+s3], $0x80, $0x38;
	[tilespmem:$0x1E780] =	vst v63  }
0x165: {  	s0 =	smov.u32 s30;
	s29 =	smov.u32 s31;
	p0 =	sne.s32 s30, $0xF80  }
.Ltmp11:
0x166: {  	s30 =	sadd.s32 $0x80, s30;
	(pc) =	sbr.rel @p0 .LBB2_24-.Ltmp11, $2  }
0x167: {  	_ =	sdelay $0x2  }
0x168: {  	s31 =	sadd.s32 $0x100, s31;
	s0 =	sadd.s32 s0, s13  }
0x169: {  	[tilespmem:s29], [sflag:$0x3] =	stream.linear.gather [hbm4b:s0+s3], $0x80, $0x38;
	[tilespmem:$0x1E780] =	vst v63  }
0x16a: {  	_ =	swait.ge [sflag:s24], $0x1000  }
0x16b: {  	[sflag:s24] =	ssyncset.done $0x0  }
0x16c: {  	s0 =	simm.s32 $0x19770;
	[sflag:s24] =	ssyncadd.s32 $0xFFFFF000  }
0x16d: {  	v1 =	vld [tilespmem:s0+$0xFFFFFF90]  }
0x16e: {  	v2 =	vld [tilespmem:s0+$0x0]  }
0x16f: {  	v3 =	vld [tilespmem:s0+$0xFFFFFFA0]  }
0x170: {  	v4 =	vld [tilespmem:s0+$0xFFFFFFF0]  }
0x171: {  	v5 =	vld [tilespmem:s0+$0xFFFFFFB0]  }
0x172: {  	v6 =	vld [tilespmem:s0+$0xFFFFFFE0]  }
0x173: {  	v7 =	vld [tilespmem:s0+$0xFFFFFFC0]  }
0x174: {  	s29 =	simm.s32 $0x1C7F0;
	v8 =	vld [tilespmem:s0+$0xFFFFFFD0]  }
0x175: {  	v9 =	vld [tilespmem:s29+$0xFFFFFF90]  }
0x176: {  	v1 =	vld.idx.msk [tilespmem:v1+s3+$0x0], $0xffff  }
0x177: {  	v10 =	vld [tilespmem:s29+$0xFFFFFFA0]  }
0x178: {  	v3 =	vld.idx.msk [tilespmem:v3+s3+$0x0], $0xffff  }
0x179: {  	v11 =	vld [tilespmem:s29+$0xFFFFFFB0]  }
0x17a: {  	v5 =	vld.idx.msk [tilespmem:v5+s3+$0x0], $0xffff  }
0x17b: {  	v7 =	vld.idx.msk [tilespmem:v7+s3+$0x0], $0xffff;
	v1 =	vsub.f32 v9, v1  }
0x17c: {  	v9 =	vld [tilespmem:s29+$0xFFFFFFC0]  }
0x17d: {  	v8 =	vld.idx.msk [tilespmem:v8+s3+$0x0], $0xffff;
	v3 =	vsub.f32 v10, v3;
	v12 =	vmul.f32 v1, v1  }
0x17e: {  	v10 =	vld [tilespmem:s29+$0xFFFFFFD0]  }
0x17f: {  	v5 =	vsub.f32 v11, v5;
	v1 =	vld.idx.msk [tilespmem:v6+s3+$0x0], $0xffff;
	v63 =	vmul.f32 v3, v3;
	v6 =	vadd.f32 v12, v0  }
0x180: {  	v3 =	vld [tilespmem:s29+$0xFFFFFFE0]  }
0x181: {  	v5 =	vmul.f32 v5, v5;
	v0 =	vld.idx.msk [tilespmem:v4+s3+$0x0], $0xffff;
	v7 =	vsub.f32 v9, v7;
	v6 =	vadd.f32 v63, v6  }
0x182: {  	v4 =	vld [tilespmem:s29+$0xFFFFFFF0]  }
0x183: {  	v2 =	vld.idx.msk [tilespmem:v2+s3+$0x0], $0xffff;
	v8 =	vsub.f32 v10, v8;
	v7 =	vmul.f32 v7, v7;
	v6 =	vadd.f32 v5, v6  }
0x184: {  	s30 =	simm.s32 $0x0;
	s31 =	simm.s32 $0x197F0;
	v5 =	vld [tilespmem:s29+$0x0]  }
.LBB2_26:
0x185: {  	v9 =	vld [tilespmem:s31+$0xFFFFFF90];
	s30 =	sadd.s32 $0x8, s30;
	v6 =	vadd.f32 v7, v6;
	v7 =	vmul.f32 v8, v8;
	v1 =	vsub.f32 v3, v1  }
0x186: {  	v10 =	vld [tilespmem:s31+$0x0];
	p0 =	slt.u32 s30, $0xF8  }
0x187: {  	v3 =	vld [tilespmem:s31+$0xFFFFFFA0];
	v6 =	vadd.f32 v7, v6;
	v1 =	vmul.f32 v1, v1;
	v0 =	vsub.f32 v4, v0  }
0x188: {  	v4 =	vld [tilespmem:s31+$0xFFFFFFF0]  }
0x189: {  	v7 =	vld [tilespmem:s31+$0xFFFFFFB0];
	v1 =	vadd.f32 v1, v6;
	v0 =	vmul.f32 v0, v0;
	v2 =	vsub.f32 v5, v2  }
0x18a: {  	v5 =	vld [tilespmem:s31+$0xFFFFFFE0]  }
0x18b: {  	v6 =	vld [tilespmem:s31+$0xFFFFFFC0];
	v0 =	vadd.f32 v0, v1;
	v1 =	vmul.f32 v2, v2  }
0x18c: {  	v2 =	vld [tilespmem:s31+$0xFFFFFFD0]  }
0x18d: {  	s29 =	sadd.s32 $0x100, s29;
	v8 =	vld.idx.msk [tilespmem:v9+s3+$0x0], $0xffff;
	v0 =	vadd.f32 v1, v0  }
0x18e: {  	v1 =	vld [tilespmem:s29+$0xFFFFFF90]  }
0x18f: {  	v3 =	vld.idx.msk [tilespmem:v3+s3+$0x0], $0xffff  }
0x190: {  	v9 =	vld [tilespmem:s29+$0xFFFFFFA0]  }
0x191: {  	v7 =	vld.idx.msk [tilespmem:v7+s3+$0x0], $0xffff  }
0x192: {  	v11 =	vld [tilespmem:s29+$0xFFFFFFB0]  }
0x193: {  	v1 =	vsub.f32 v1, v8;
	v6 =	vld.idx.msk [tilespmem:v6+s3+$0x0], $0xffff  }
0x194: {  	v8 =	vld [tilespmem:s29+$0xFFFFFFC0]  }
0x195: {  	v1 =	vmul.f32 v1, v1;
	v3 =	vsub.f32 v9, v3;
	v2 =	vld.idx.msk [tilespmem:v2+s3+$0x0], $0xffff  }
0x196: {  	v9 =	vld [tilespmem:s29+$0xFFFFFFD0]  }
0x197: {  	v0 =	vadd.f32 v1, v0;
	v12 =	vmul.f32 v3, v3;
	v7 =	vsub.f32 v11, v7;
	v1 =	vld.idx.msk [tilespmem:v5+s3+$0x0], $0xffff  }
.Ltmp12:
0x198: {  	v3 =	vld [tilespmem:s29+$0xFFFFFFE0];
	(pc) =	sbr.rel @p0 .LBB2_26-.Ltmp12, $4  }
0x199: {  	v5 =	vadd.f32 v12, v0;
	v7 =	vmul.f32 v7, v7;
	v8 =	vsub.f32 v8, v6;
	v0 =	vld.idx.msk [tilespmem:v4+s3+$0x0], $0xffff  }
0x19a: {  	v4 =	vld [tilespmem:s29+$0xFFFFFFF0]  }
0x19b: {  	v6 =	vadd.f32 v7, v5;
	v7 =	vmul.f32 v8, v8;
	v8 =	vsub.f32 v9, v2;
	v2 =	vld.idx.msk [tilespmem:v10+s3+$0x0], $0xffff  }
0x19c: {  	s31 =	sadd.s32 $0x80, s31;
	v5 =	vld [tilespmem:s29+$0x0]  }
0x19d: {  	v6 =	vadd.f32 v7, v6;
	v63 =	vmul.f32 v8, v8;
	v1 =	vsub.f32 v3, v1;
	_ =	sdelay $0x1  }
0x19e: {  	v3 =	vadd.f32 v63, v6;
	v1 =	vmul.f32 v1, v1;
	v0 =	vsub.f32 v4, v0;
	_ =	sdelay $0x1  }
0x19f: {  	v1 =	vadd.f32 v1, v3;
	v0 =	vmul.f32 v0, v0;
	v2 =	vsub.f32 v5, v2;
	_ =	sdelay $0x1  }
0x1a0: {  	v0 =	vadd.f32 v0, v1;
	v1 =	vmul.f32 v2, v2  }
0x1a1: {  	s29 =	simm.s32 $0x1C780  }
0x1a2: {  	s30 =	simm.s32 $0x80;
	s0 =	sadd.s32 $0x0, s14;
	s31 =	simm.s32 $0x1C880;
	v0 =	vadd.f32 v1, v0  }
.LBB2_28:
0x1a3: {  	[tilespmem:s29], [sflag:$0x4] =	stream.linear.gather [hbm4b:s0+s3], $0x80, $0x38;
	[tilespmem:$0x1E780] =	vst v63  }
0x1a4: {  	s0 =	smov.u32 s30;
	s29 =	smov.u32 s31;
	p0 =	sne.s32 s30, $0xF80  }
.Ltmp13:
0x1a5: {  	s30 =	sadd.s32 $0x80, s30;
	(pc) =	sbr.rel @p0 .LBB2_28-.Ltmp13, $2  }
0x1a6: {  	_ =	sdelay $0x2  }
0x1a7: {  	s31 =	sadd.s32 $0x100, s31;
	s0 =	sadd.s32 s0, s14  }
0x1a8: {  	[tilespmem:s29], [sflag:$0x4] =	stream.linear.gather [hbm4b:s0+s3], $0x80, $0x38;
	[tilespmem:$0x1E780] =	vst v63  }
0x1a9: {  	_ =	swait.ge [sflag:s23], $0x1000  }
0x1aa: {  	[sflag:s23] =	ssyncset.done $0x0  }
0x1ab: {  	s0 =	simm.s32 $0x1A770;
	[sflag:s23] =	ssyncadd.s32 $0xFFFFF000  }
0x1ac: {  	v1 =	vld [tilespmem:s0+$0xFFFFFF90]  }
0x1ad: {  	v5 =	vld [tilespmem:s0+$0x0]  }
0x1ae: {  	v2 =	vld [tilespmem:s0+$0xFFFFFFA0]  }
0x1af: {  	v3 =	vld [tilespmem:s0+$0xFFFFFFF0]  }
0x1b0: {  	v4 =	vld [tilespmem:s0+$0xFFFFFFB0]  }
0x1b1: {  	v6 =	vld [tilespmem:s0+$0xFFFFFFE0]  }
0x1b2: {  	v7 =	vld [tilespmem:s0+$0xFFFFFFC0]  }
0x1b3: {  	s29 =	simm.s32 $0x1C740;
	v8 =	vld [tilespmem:s0+$0xFFFFFFD0]  }
0x1b4: {  	v9 =	vld [tilespmem:s29+$0xFFFFFFC0]  }
0x1b5: {  	v1 =	vld.idx.msk [tilespmem:v1+s3+$0x0], $0xffff  }
0x1b6: {  	v10 =	vld [tilespmem:s29+$0xFFFFFFD0]  }
0x1b7: {  	v2 =	vld.idx.msk [tilespmem:v2+s3+$0x0], $0xffff  }
0x1b8: {  	v11 =	vld [tilespmem:s29+$0xFFFFFFE0]  }
0x1b9: {  	v4 =	vld.idx.msk [tilespmem:v4+s3+$0x0], $0xffff  }
0x1ba: {  	v7 =	vld.idx.msk [tilespmem:v7+s3+$0x0], $0xffff;
	v1 =	vsub.f32 v9, v1  }
0x1bb: {  	v9 =	vld [tilespmem:s29+$0xFFFFFFF0]  }
0x1bc: {  	v12 =	vld [tilespmem:s29+$0x0];
	v10 =	vsub.f32 v10, v2;
	v1 =	vmul.f32 v1, v1  }
0x1bd: {  	v8 =	vld.idx.msk [tilespmem:v8+s3+$0x0], $0xffff  }
0x1be: {  	v2 =	vld.idx.msk [tilespmem:v6+s3+$0x0], $0xffff;
	v6 =	vmul.f32 v10, v10;
	v10 =	vsub.f32 v11, v4;
	v1 =	vadd.f32 v1, v0  }
0x1bf: {  	v4 =	vld [tilespmem:s29+$0x10]  }
0x1c0: {  	v0 =	vld.idx.msk [tilespmem:v3+s3+$0x0], $0xffff;
	v10 =	vmul.f32 v10, v10;
	v7 =	vsub.f32 v9, v7;
	v6 =	vadd.f32 v6, v1  }
0x1c1: {  	v3 =	vld [tilespmem:s29+$0x20]  }
0x1c2: {  	v8 =	vsub.f32 v12, v8;
	v1 =	vld.idx.msk [tilespmem:v5+s3+$0x0], $0xffff;
	v7 =	vmul.f32 v7, v7;
	v6 =	vadd.f32 v10, v6  }
0x1c3: {  	s30 =	simm.s32 $0x0;
	s31 =	simm.s32 $0x1A7F0;
	v5 =	vld [tilespmem:s29+$0x30]  }
.LBB2_30:
0x1c4: {  	v9 =	vld [tilespmem:s31+$0xFFFFFF90];
	s30 =	sadd.s32 $0x8, s30;
	v6 =	vadd.f32 v7, v6;
	v7 =	vmul.f32 v8, v8;
	v2 =	vsub.f32 v4, v2  }
0x1c5: {  	v10 =	vld [tilespmem:s31+$0x0];
	p0 =	slt.u32 s30, $0xF8  }
0x1c6: {  	v4 =	vld [tilespmem:s31+$0xFFFFFFA0];
	v6 =	vadd.f32 v7, v6;
	v2 =	vmul.f32 v2, v2;
	v0 =	vsub.f32 v3, v0  }
0x1c7: {  	v3 =	vld [tilespmem:s31+$0xFFFFFFF0]  }
0x1c8: {  	v7 =	vld [tilespmem:s31+$0xFFFFFFB0];
	v2 =	vadd.f32 v2, v6;
	v0 =	vmul.f32 v0, v0;
	v1 =	vsub.f32 v5, v1  }
0x1c9: {  	v5 =	vld [tilespmem:s31+$0xFFFFFFE0]  }
0x1ca: {  	v6 =	vld [tilespmem:s31+$0xFFFFFFC0];
	v0 =	vadd.f32 v0, v2;
	v1 =	vmul.f32 v1, v1  }
0x1cb: {  	v2 =	vld [tilespmem:s31+$0xFFFFFFD0]  }
0x1cc: {  	s29 =	sadd.s32 $0x100, s29;
	v8 =	vld.idx.msk [tilespmem:v9+s3+$0x0], $0xffff;
	v0 =	vadd.f32 v1, v0  }
0x1cd: {  	v1 =	vld [tilespmem:s29+$0xFFFFFFC0]  }
0x1ce: {  	v4 =	vld.idx.msk [tilespmem:v4+s3+$0x0], $0xffff  }
0x1cf: {  	v9 =	vld [tilespmem:s29+$0xFFFFFFD0]  }
0x1d0: {  	v7 =	vld.idx.msk [tilespmem:v7+s3+$0x0], $0xffff  }
0x1d1: {  	v11 =	vld [tilespmem:s29+$0xFFFFFFE0]  }
0x1d2: {  	v1 =	vsub.f32 v1, v8;
	v6 =	vld.idx.msk [tilespmem:v6+s3+$0x0], $0xffff  }
0x1d3: {  	v8 =	vld [tilespmem:s29+$0xFFFFFFF0]  }
0x1d4: {  	v1 =	vmul.f32 v1, v1;
	v4 =	vsub.f32 v9, v4;
	v9 =	vld.idx.msk [tilespmem:v2+s3+$0x0], $0xffff  }
0x1d5: {  	v12 =	vld [tilespmem:s29+$0x0]  }
0x1d6: {  	v0 =	vadd.f32 v1, v0;
	v1 =	vmul.f32 v4, v4;
	v7 =	vsub.f32 v11, v7;
	v2 =	vld.idx.msk [tilespmem:v5+s3+$0x0], $0xffff  }
.Ltmp14:
0x1d7: {  	v4 =	vld [tilespmem:s29+$0x10];
	(pc) =	sbr.rel @p0 .LBB2_30-.Ltmp14, $4  }
0x1d8: {  	v1 =	vadd.f32 v1, v0;
	v5 =	vmul.f32 v7, v7;
	v7 =	vsub.f32 v8, v6;
	v0 =	vld.idx.msk [tilespmem:v3+s3+$0x0], $0xffff  }
0x1d9: {  	v3 =	vld [tilespmem:s29+$0x20]  }
0x1da: {  	v6 =	vadd.f32 v5, v1;
	v7 =	vmul.f32 v7, v7;
	v8 =	vsub.f32 v12, v9;
	v1 =	vld.idx.msk [tilespmem:v10+s3+$0x0], $0xffff  }
0x1db: {  	s31 =	sadd.s32 $0x80, s31;
	v5 =	vld [tilespmem:s29+$0x30]  }
0x1dc: {  	_ =	swait.ge [sflag:s24], $0x1000  }
0x1dd: {  	[sflag:s24] =	ssyncset.done $0x0  }
0x1de: {  	s0 =	simm.s32 $0x1B770;
	[sflag:s24] =	ssyncadd.s32 $0xFFFFF000  }
0x1df: {  	v9 =	vld [tilespmem:s0+$0xFFFFFF90]  }
0x1e0: {  	v10 =	vld [tilespmem:s0+$0x0]  }
0x1e1: {  	v11 =	vld [tilespmem:s0+$0xFFFFFFA0]  }
0x1e2: {  	v12 =	vld [tilespmem:s0+$0xFFFFFFF0]  }
0x1e3: {  	v13 =	vld [tilespmem:s0+$0xFFFFFFB0]  }
0x1e4: {  	v14 =	vld [tilespmem:s0+$0xFFFFFFE0]  }
0x1e5: {  	v15 =	vld [tilespmem:s0+$0xFFFFFFC0]  }
0x1e6: {  	s29 =	simm.s32 $0x1C7F0;
	v16 =	vld [tilespmem:s0+$0xFFFFFFD0]  }
0x1e7: {  	v6 =	vadd.f32 v7, v6;
	v7 =	vmul.f32 v8, v8;
	v2 =	vsub.f32 v4, v2;
	v4 =	vld [tilespmem:s29+$0xFFFFFF90]  }
0x1e8: {  	v9 =	vld.idx.msk [tilespmem:v9+s3+$0x0], $0xffff  }
0x1e9: {  	v6 =	vadd.f32 v7, v6;
	v2 =	vmul.f32 v2, v2;
	v0 =	vsub.f32 v3, v0;
	v3 =	vld [tilespmem:s29+$0xFFFFFFA0]  }
0x1ea: {  	v8 =	vld.idx.msk [tilespmem:v11+s3+$0x0], $0xffff  }
0x1eb: {  	v2 =	vadd.f32 v2, v6;
	v0 =	vmul.f32 v0, v0;
	v1 =	vsub.f32 v5, v1;
	v5 =	vld [tilespmem:s29+$0xFFFFFFB0]  }
0x1ec: {  	v7 =	vld.idx.msk [tilespmem:v13+s3+$0x0], $0xffff  }
0x1ed: {  	v0 =	vadd.f32 v0, v2;
	v1 =	vmul.f32 v1, v1;
	v6 =	vld.idx.msk [tilespmem:v15+s3+$0x0], $0xffff;
	v2 =	vsub.f32 v4, v9  }
0x1ee: {  	v4 =	vld [tilespmem:s29+$0xFFFFFFC0]  }
0x1ef: {  	v1 =	vadd.f32 v1, v0;
	v9 =	vld.idx.msk [tilespmem:v16+s3+$0x0], $0xffff;
	v3 =	vsub.f32 v3, v8;
	v2 =	vmul.f32 v2, v2  }
0x1f0: {  	v8 =	vld [tilespmem:s29+$0xFFFFFFD0]  }
0x1f1: {  	v0 =	vld.idx.msk [tilespmem:v14+s3+$0x0], $0xffff;
	v5 =	vsub.f32 v5, v7;
	v11 =	vmul.f32 v3, v3;
	v2 =	vadd.f32 v2, v1  }
0x1f2: {  	v3 =	vld [tilespmem:s29+$0xFFFFFFE0]  }
0x1f3: {  	v5 =	vmul.f32 v5, v5;
	v1 =	vld.idx.msk [tilespmem:v12+s3+$0x0], $0xffff;
	v7 =	vadd.f32 v11, v2;
	v11 =	vsub.f32 v4, v6  }
0x1f4: {  	v4 =	vld [tilespmem:s29+$0xFFFFFFF0]  }
0x1f5: {  	v8 =	vsub.f32 v8, v9;
	v2 =	vld.idx.msk [tilespmem:v10+s3+$0x0], $0xffff;
	v6 =	vadd.f32 v5, v7;
	v7 =	vmul.f32 v11, v11  }
0x1f6: {  	s30 =	simm.s32 $0x0;
	s31 =	simm.s32 $0x1B7F0;
	v5 =	vld [tilespmem:s29+$0x0]  }
.LBB2_32:
0x1f7: {  	v9 =	vld [tilespmem:s31+$0xFFFFFF90];
	s30 =	sadd.s32 $0x8, s30;
	v6 =	vadd.f32 v7, v6;
	v7 =	vmul.f32 v8, v8;
	v0 =	vsub.f32 v3, v0  }
0x1f8: {  	v10 =	vld [tilespmem:s31+$0x0];
	p0 =	slt.u32 s30, $0xF8  }
0x1f9: {  	v3 =	vld [tilespmem:s31+$0xFFFFFFA0];
	v6 =	vadd.f32 v7, v6;
	v0 =	vmul.f32 v0, v0;
	v1 =	vsub.f32 v4, v1  }
0x1fa: {  	v4 =	vld [tilespmem:s31+$0xFFFFFFF0]  }
0x1fb: {  	v7 =	vld [tilespmem:s31+$0xFFFFFFB0];
	v0 =	vadd.f32 v0, v6;
	v1 =	vmul.f32 v1, v1;
	v2 =	vsub.f32 v5, v2  }
0x1fc: {  	v5 =	vld [tilespmem:s31+$0xFFFFFFE0]  }
0x1fd: {  	v6 =	vld [tilespmem:s31+$0xFFFFFFC0];
	v0 =	vadd.f32 v1, v0;
	v1 =	vmul.f32 v2, v2  }
0x1fe: {  	v2 =	vld [tilespmem:s31+$0xFFFFFFD0]  }
0x1ff: {  	s29 =	sadd.s32 $0x100, s29;
	v8 =	vld.idx.msk [tilespmem:v9+s3+$0x0], $0xffff;
	v0 =	vadd.f32 v1, v0  }
0x200: {  	v1 =	vld [tilespmem:s29+$0xFFFFFF90]  }
0x201: {  	v3 =	vld.idx.msk [tilespmem:v3+s3+$0x0], $0xffff  }
0x202: {  	v9 =	vld [tilespmem:s29+$0xFFFFFFA0]  }
0x203: {  	v7 =	vld.idx.msk [tilespmem:v7+s3+$0x0], $0xffff  }
0x204: {  	v11 =	vld [tilespmem:s29+$0xFFFFFFB0]  }
0x205: {  	v1 =	vsub.f32 v1, v8;
	v6 =	vld.idx.msk [tilespmem:v6+s3+$0x0], $0xffff  }
0x206: {  	v8 =	vld [tilespmem:s29+$0xFFFFFFC0]  }
0x207: {  	v1 =	vmul.f32 v1, v1;
	v3 =	vsub.f32 v9, v3;
	v2 =	vld.idx.msk [tilespmem:v2+s3+$0x0], $0xffff  }
0x208: {  	v9 =	vld [tilespmem:s29+$0xFFFFFFD0]  }
0x209: {  	v1 =	vadd.f32 v1, v0;
	v12 =	vmul.f32 v3, v3;
	v7 =	vsub.f32 v11, v7;
	v0 =	vld.idx.msk [tilespmem:v5+s3+$0x0], $0xffff  }
.Ltmp15:
0x20a: {  	v3 =	vld [tilespmem:s29+$0xFFFFFFE0];
	(pc) =	sbr.rel @p0 .LBB2_32-.Ltmp15, $4  }
0x20b: {  	v5 =	vadd.f32 v12, v1;
	v7 =	vmul.f32 v7, v7;
	v8 =	vsub.f32 v8, v6;
	v1 =	vld.idx.msk [tilespmem:v4+s3+$0x0], $0xffff  }
0x20c: {  	v4 =	vld [tilespmem:s29+$0xFFFFFFF0]  }
0x20d: {  	v6 =	vadd.f32 v7, v5;
	v7 =	vmul.f32 v8, v8;
	v8 =	vsub.f32 v9, v2;
	v2 =	vld.idx.msk [tilespmem:v10+s3+$0x0], $0xffff  }
0x20e: {  	s31 =	sadd.s32 $0x80, s31;
	v5 =	vld [tilespmem:s29+$0x0]  }
0x20f: {  	v6 =	vadd.f32 v7, v6;
	v61 =	vmul.f32 v8, v8;
	v0 =	vsub.f32 v3, v0;
	_ =	sdelay $0x1  }
0x210: {  	v62 =	vadd.f32 v61, v6;
	v0 =	vmul.f32 v0, v0;
	v1 =	vsub.f32 v4, v1;
	_ =	sdelay $0x1  }
0x211: {  	v0 =	vadd.f32 v0, v62;
	v1 =	vmul.f32 v1, v1;
	v2 =	vsub.f32 v5, v2;
	_ =	sdelay $0x1  }
0x212: {  	v0 =	vadd.f32 v1, v0;
	v63 =	vmul.f32 v2, v2;
	_ =	sdelay $0x1  }
0x213: {  	s28 =	sadd.s32 $0x1, s28;
	v0 =	vadd.f32 v63, v0  }
0x214: {  	p0 =	sne.s32 s28, s16  }
.Ltmp16:
0x215: {  	[tilespmem:$0x1E700] =	vst v0;
	(pc) =	sbr.rel @p0 .LBB2_1-.Ltmp16, $4  }
0x216: {  	[hbm4b:s15+s3] =	stream.linear.scatter [tilespmem:s25], [sflag:$0x5], $0x10, $0x38;
	[tilespmem:$0x1E780] =	vst v63  }
0x217: {  	_ =	swait.ge [sflag:s26], $0x10  }
0x218: {  	[sflag:s26] =	ssyncset.done $0x0  }
0x219: {  	[sflag:s26] =	ssyncadd.s32 $0xFFFFFFF0  }
0x21a: {  	_ =	sfence.sel $0x180000  }
0x21b: {  	[bflag:$0x0] =	sbarrier.arrive $0xFFFF  }
0x21c: {  	_ =	strace $0x90000047  }
0x21d: {  	[bflag:$0x2] =	sbarrier.arrive $0xFFFF  }
0x21e: {  	p0 =	sne.s32 s1, $0x0;
	s0 =	rddreg [dreg:$0x4]  }
0x21f: {  	s0 =	sadd.s32 @!p0 $0x100000, s0  }
0x220: {  	[sflag:s0] =	ssyncadd.tile.s32 @!p0 $0x1;
	_ =	shalt  }
.Lfunc_end2:
_tile_overlayer_lowered:
.L_overlay_start_2:
0x221: {  	(tag) =	ssettag $0x2  }
0x222: {  	s0 =	rddreg [dreg:$0x0];
	s2 =	stileid.u32  }
0x223: {  	s1 =	rddreg [dreg:$0x1];
	p0 =	sne.s32 s2, $0x0  }
0x224: {  	s3 =	rddreg [dreg:$0x2];
	[bflag:$0x3] =	sbarrier.arrive $0xFFFF;
	s2 =	simm.s32 @!p0 $0x1C05  }
0x225: {  	[timem:s3], [sflag:s2] =	dma.local @!p0 [hbm:s0], s1  }
0x226: {  	s0 =	simm.s32 @!p0 $0x5  }
0x227: {  	_ =	swait.ge @!p0 [sflag:s0], s1  }
0x228: {  	s1 =	ssub.s32 @!p0 $0x0, s1;
	[sflag:s0] =	ssyncset.done @!p0 $0x0  }
0x229: {  	[sflag:s0] =	ssyncadd.s32 @!p0 s1  }
0x22a: {  	[bflag:$0x3] =	sbarrier.arrive $0xFFFF  }
0x22b: {  	_ =	shalt  }

</sc_bundles>
